<compile_context>
chip_gen: v7x
topology: tpu7x:2x2x1
jax: 0.10.2.dev20260603
libtpu: 0.0.44.dev20260713+nightly
codegen_flags: <defaults>
</compile_context>

<pallas_src>
import functools

import jax
import jax.numpy as jnp
from jax import lax
from jax.experimental import pallas as pl
from jax.experimental.pallas import tpu as pltpu
from jax.experimental.pallas import tpu_sc as plsc

_NC = 2
_NS = 16
_NW = _NC * _NS
_H = 512000


def _tc_prepare(tablet, wt_t, E):
    BR = 2048
    grid = _H // BR

    def body(tl_ref, tr_ref, w_ref, o_ref):
        o_ref[:, :E] = lax.dot_general(
            tl_ref[...], w_ref[...], (((0,), (0,)), ((), ())),
            preferred_element_type=jnp.float32)
        o_ref[:, E:] = lax.dot_general(
            tr_ref[...], w_ref[...], (((0,), (0,)), ((), ())),
            preferred_element_type=jnp.float32)

    last_blk = (1000000 - 1) // BR

    return pl.pallas_call(
        body,
        grid=(grid,),
        in_specs=[
            pl.BlockSpec((E, BR), lambda c: (0, c)),
            pl.BlockSpec(
                (E, BR),
                lambda c: (0, jnp.minimum(_H // BR + c, last_blk))),
            pl.BlockSpec((E, E), lambda c: (0, 0)),
        ],
        out_specs=pl.BlockSpec((BR, 2 * E), lambda c: (c, 0)),
        out_shape=jax.ShapeDtypeStruct((_H, 2 * E), jnp.float32),
        compiler_params=pltpu.CompilerParams(
            dimension_semantics=("parallel",)),
    )(tablet, tablet, wt_t)


def _sc_gather(idx2d, tablep):
    R = idx2d.shape[0]
    W = tablep.shape[1]
    r_per_w = R // _NW
    K = 2
    n_ch = r_per_w // K

    mesh = plsc.VectorSubcoreMesh(core_axis_name="c", subcore_axis_name="s")

    @functools.partial(
        pl.kernel,
        out_type=jax.ShapeDtypeStruct((R * 128, W), jnp.float32),
        mesh=mesh,
        scratch_types=[
            pltpu.VMEM((2, K, 128), jnp.int32),
            pltpu.VMEM((2, K * 128, W), jnp.float32),
            pltpu.SemaphoreType.DMA,
            pltpu.SemaphoreType.DMA,
        ],
        compiler_params=pltpu.CompilerParams(use_tc_tiling_on_sc=False),
    )
    def gather_kernel(idx_hbm, table_hbm, out_hbm, idx_v, rows_v, gsem, osem):
        wid = lax.axis_index("s") * _NC + lax.axis_index("c")
        base = wid * n_ch

        def fire(c, buf):
            pltpu.sync_copy(idx_hbm.at[pl.ds(c * K, K)], idx_v.at[buf])
            for j in range(K):
                pltpu.async_copy(table_hbm.at[idx_v.at[buf, j]],
                                 rows_v.at[buf, pl.ds(j * 128, 128)], gsem)

        def wait_gathers(buf):
            for j in range(K):
                pltpu.make_async_copy(
                    table_hbm.at[idx_v.at[buf, j]],
                    rows_v.at[buf, pl.ds(j * 128, 128)], gsem).wait()

        def writeback(c, buf):
            pltpu.async_copy(
                rows_v.at[buf],
                out_hbm.at[pl.ds(c * K * 128, K * 128)], osem)

        def drain_writeback(buf):
            pltpu.make_async_copy(
                rows_v.at[buf], out_hbm.at[pl.ds(0, K * 128)], osem).wait()

        fire(base, 0)
        wait_gathers(0)
        fire(base + 1, 1)
        writeback(base, 0)
        wait_gathers(1)
        drain_writeback(0)
        fire(base + 2, 0)
        writeback(base + 1, 1)

        def body(p, carry):
            for buf in range(2):
                c = base + p * 2 + buf
                wait_gathers(buf)
                drain_writeback(1 - buf)
                fire(lax.rem(c + 1, n_ch * _NW), 1 - buf)
                writeback(c, buf)
            return carry

        lax.fori_loop(1, n_ch // 2, body, 0)
        wait_gathers(0)
        drain_writeback(1)

    return gather_kernel(idx2d, tablep)


def _tc_project_sel(gp4, par4, cp4, il, ir, combp, L, B, E):
    CB = 8
    BB = B // CB

    def body(g_ref, p_ref, c_ref, il_ref, ir_ref, tp_ref, o_ref):
        gblk = g_ref[0, 0]
        tl = lax.dot_general(
            il_ref[...], gblk, (((0,), (1,)), ((), ())),
            preferred_element_type=jnp.float32)
        tr = lax.dot_general(
            ir_ref[...], gblk, (((0,), (1,)), ((), ())),
            preferred_element_type=jnp.float32)
        m = jnp.broadcast_to(p_ref[0, 0], (E, BB)).astype(jnp.float32)
        iot = lax.broadcasted_iota(jnp.int32, (128, BB), 0)
        oh = (iot == jnp.broadcast_to(c_ref[0, 0], (128, BB))
              ).astype(jnp.float32)
        out = tl + (tr - tl) * m
        out += lax.dot_general(
            tp_ref[...], oh, (((0,), (0,)), ((), ())),
            preferred_element_type=jnp.float32)
        o_ref[0] = out

    return pl.pallas_call(
        body,
        grid=(L, CB),
        in_specs=[
            pl.BlockSpec((1, 1, BB, 2 * E), lambda l, c: (l, c, 0, 0)),
            pl.BlockSpec((1, 1, 1, BB), lambda l, c: (l, c, 0, 0)),
            pl.BlockSpec((1, 1, 1, BB), lambda l, c: (l, c, 0, 0)),
            pl.BlockSpec((2 * E, E), lambda l, c: (0, 0)),
            pl.BlockSpec((2 * E, E), lambda l, c: (0, 0)),
            pl.BlockSpec((128, E), lambda l, c: (0, 0)),
        ],
        out_specs=pl.BlockSpec((1, E, BB), lambda l, c: (l, 0, c)),
        out_shape=jax.ShapeDtypeStruct((L, E, B), jnp.float32),
        compiler_params=pltpu.CompilerParams(
            dimension_semantics=("parallel", "parallel")),
    )(gp4, par4, cp4, il, ir, combp)


def kernel(token_ids, class_ids, phase_ids, token_table, class_table,
           phase_table, proj_w, proj_b):
    B, L = token_ids.shape
    V, E = token_table.shape
    NCLS = class_table.shape[0]
    NPHS = phase_table.shape[0]
    N = B * L
    CB = 8

    wt_t = proj_w[:, :E].T
    wc_t = proj_w[:, E:E + class_table.shape[1]].T
    wp_t = proj_w[:, E + class_table.shape[1]:].T
    cc = class_table @ wc_t
    pc = phase_table @ wp_t
    comb = (cc[:, None, :] + pc[None, :, :]).reshape(NCLS * NPHS, E) + proj_b
    combp = jnp.pad(comb, ((0, 128 - NCLS * NPHS), (0, 0)))
    eye = jnp.eye(E, dtype=jnp.float32)
    il = jnp.concatenate([eye, jnp.zeros((E, E), jnp.float32)], axis=0)
    ir = jnp.concatenate([jnp.zeros((E, E), jnp.float32), eye], axis=0)

    tablep = _tc_prepare(token_table.T, wt_t, E)

    tokt = token_ids.T
    part = (tokt >= _H).astype(jnp.int32)
    rowt = tokt - part * _H
    idxp = rowt.reshape(N // 128, 128)
    gathered = _sc_gather(idxp, tablep)
    gp4 = gathered.reshape(L, CB, B // CB, 2 * E)

    par4 = part.reshape(L, CB, 1, B // CB)
    cpt = (class_ids * NPHS + phase_ids).T
    cp4 = cpt.reshape(L, CB, 1, B // CB)

    out_t = _tc_project_sel(gp4, par4, cp4, il, ir, combp, L, B, E)
    return out_t.transpose(2, 0, 1)

# --- scband reference (transcript-rebuilt; emitter-appended) ---
"""Pipeline reference for scband-token-embedding-35691178230226 (READ-ONLY COPY).

The authoritative reference and input builder live on the scoring server;
editing this copy changes nothing except your own understanding.
"""

import jax, jax.numpy as jnp
import numpy as np

VOCAB = 1000000
EMB = 64
B, L = 16384, 50

def setup_inputs(seed: int = 0) -> dict:
    key = jax.random.key(seed)
    k1, k2, k3, k4, k5, k6, k7, k8 = jax.random.split(key, 8)
    token_ids = jax.random.randint(k1, (B, L), 0, VOCAB, dtype=jnp.int64 if jax.config.jax_enable_x64 else jnp.int32).astype(jnp.int32)
    class_ids = jax.random.randint(k2, (B, L), 0, 14, dtype=jnp.int32)
    phase_ids = jax.random.randint(k3, (B, L), 0, 8, dtype=jnp.int32)
    token_table = jax.random.normal(k4, (VOCAB, EMB), dtype=jnp.float32)
    class_table = jax.random.normal(k5, (14, 16), dtype=jnp.float32)
    phase_table = jax.random.normal(k6, (8, 8), dtype=jnp.float32)
    in_dim = EMB + 16 + 8
    bound = 1.0 / np.sqrt(in_dim)
    proj_w = jax.random.uniform(k7, (EMB, in_dim), minval=-bound, maxval=bound, dtype=jnp.float32)
    proj_b = jax.random.uniform(k8, (EMB,), minval=-bound, maxval=bound, dtype=jnp.float32)
    return {
        'token_ids': token_ids,
        'class_ids': class_ids,
        'phase_ids': phase_ids,
        'token_table': token_table,
        'class_table': class_table,
        'phase_table': phase_table,
        'proj_w': proj_w,
        'proj_b': proj_b,
    }

def reference(token_ids, class_ids, phase_ids, token_table, class_table, phase_table, proj_w, proj_b):
    t = jnp.take(token_table, token_ids, axis=0)
    c = jnp.take(class_table, class_ids, axis=0)
    p = jnp.take(phase_table, phase_ids, axis=0)
    x = jnp.concatenate([t, c, p], axis=-1)
    return x @ proj_w.T + proj_b

if __name__ == "__main__":
    import jax
    _d = setup_inputs()
    print(jax.jit(kernel)(*tuple(_d.values())))

</pallas_src>

<mosaic_0001>
#map = affine_map<(d0, d1) -> (0, 0)>
module attributes {stable_mosaic.version = 14 : i64} {
  func.func @gather_kernel(%arg0: i32, %arg1: i32, %arg2: memref<6400x128xi32, #tpu.memory_space<hbm>>, %arg3: memref<512000x128xf32, #tpu.memory_space<hbm>>, %arg4: memref<819200x128xf32, #tpu.memory_space<hbm>>, %arg5: memref<2x2x128xi32, #tpu.memory_space<vmem>>, %arg6: memref<2x256x128xf32, #tpu.memory_space<vmem>>, %arg7: memref<!tpu.dma_semaphore, #tpu.memory_space<semaphore_mem>>, %arg8: memref<!tpu.dma_semaphore, #tpu.memory_space<semaphore_mem>>) attributes {dimension_semantics = [#tpu.dimension_semantics<core_parallel>, #tpu.dimension_semantics<subcore_parallel>], iteration_bounds = array<i64: 2, 16>, scalar_prefetch = 0 : i64, scratch_operands = 4 : i64, tpu.core_type = #tpu.core_type<sc_vector_subcore>, window_params = [{transform_indices = #map}, {transform_indices = #map}, {transform_indices = #map}]} {
    %mul3A = arith.constant 2 : i32
    %mul3A_0 = arith.muli %arg1, %mul3A : i32
    %add3A = arith.addi %mul3A_0, %arg0 : i32
    %mul3A_1 = arith.constant 100 : i32
    %mul3A_2 = arith.muli %add3A, %mul3A_1 : i32
    %mul3A_3 = arith.constant 2 : i32
    %mul3A_4 = arith.muli %mul3A_2, %mul3A_3 : i32
    %run_scoped3A = arith.constant 0 : i32
    "tpu.region"() ({
      %run_scoped3A_240 = tpu.sem_alloc : memref<!tpu.dma_semaphore, #tpu.memory_space<semaphore_mem>>
      %dma_start3A_241 = arith.constant 0 : i32
      %dma_start3A_242 = arith.constant 0 : i32
      %dma_start3A_243 = tpu.memref_slice %arg5[%run_scoped3A, %dma_start3A_241, %dma_start3A_242] : memref<2x2x128xi32, #tpu.memory_space<vmem>> -> memref<1x2x128xi32, #tpu.memory_space<vmem>>
      %dma_start3A_244 = tpu.memref_squeeze %dma_start3A_243 : memref<1x2x128xi32, #tpu.memory_space<vmem>> -> memref<2x128xi32, #tpu.memory_space<vmem>>
      %dma_start3A_245 = arith.constant 0 : i32
      %dma_start3A_246 = tpu.memref_slice %arg2[%mul3A_4, %dma_start3A_245] : memref<6400x128xi32, #tpu.memory_space<hbm>> -> memref<2x128xi32, #tpu.memory_space<hbm>>
      %dma_start3A_247 = arith.constant 0 : i32
      %dma_start3A_248 = arith.constant 0 : i32
      %dma_start3A_249 = tpu.memref_slice %arg5[%run_scoped3A, %dma_start3A_247, %dma_start3A_248] : memref<2x2x128xi32, #tpu.memory_space<vmem>> -> memref<1x2x128xi32, #tpu.memory_space<vmem>>
      %dma_start3A_250 = tpu.memref_squeeze %dma_start3A_249 : memref<1x2x128xi32, #tpu.memory_space<vmem>> -> memref<2x128xi32, #tpu.memory_space<vmem>>
      %dma_start3A_251 = arith.constant 0 : i32
      %dma_start3A_252 = tpu.memref_slice %arg2[%mul3A_4, %dma_start3A_251] : memref<6400x128xi32, #tpu.memory_space<hbm>> -> memref<2x128xi32, #tpu.memory_space<hbm>>
      tpu.enqueue_dma source(%dma_start3A_252 : memref<2x128xi32, #tpu.memory_space<hbm>>) target(%dma_start3A_250 : memref<2x128xi32, #tpu.memory_space<vmem>>) target_semaphore(%run_scoped3A_240 : memref<!tpu.dma_semaphore, #tpu.memory_space<semaphore_mem>>)
      %dma_wait3A_253 = arith.constant 0 : i32
      %dma_wait3A_254 = arith.constant 0 : i32
      %dma_wait3A_255 = tpu.memref_slice %arg5[%run_scoped3A, %dma_wait3A_253, %dma_wait3A_254] : memref<2x2x128xi32, #tpu.memory_space<vmem>> -> memref<1x2x128xi32, #tpu.memory_space<vmem>>
      %dma_wait3A_256 = tpu.memref_squeeze %dma_wait3A_255 : memref<1x2x128xi32, #tpu.memory_space<vmem>> -> memref<2x128xi32, #tpu.memory_space<vmem>>
      %dma_wait3A_257 = arith.constant 0 : i32
      %dma_wait3A_258 = tpu.memref_slice %arg2[%mul3A_4, %dma_wait3A_257] : memref<6400x128xi32, #tpu.memory_space<hbm>> -> memref<2x128xi32, #tpu.memory_space<hbm>>
      %dma_wait3A_259 = arith.constant 0 : i32
      %dma_wait3A_260 = arith.constant 0 : i32
      %dma_wait3A_261 = tpu.memref_slice %arg5[%run_scoped3A, %dma_wait3A_259, %dma_wait3A_260] : memref<2x2x128xi32, #tpu.memory_space<vmem>> -> memref<1x2x128xi32, #tpu.memory_space<vmem>>
      %dma_wait3A_262 = tpu.memref_squeeze %dma_wait3A_261 : memref<1x2x128xi32, #tpu.memory_space<vmem>> -> memref<2x128xi32, #tpu.memory_space<vmem>>
      %dma_wait3A_263 = arith.constant 0 : i32
      %dma_wait3A_264 = tpu.memref_slice %arg2[%mul3A_4, %dma_wait3A_263] : memref<6400x128xi32, #tpu.memory_space<hbm>> -> memref<2x128xi32, #tpu.memory_space<hbm>>
      tpu.wait_dma2 semaphore(%run_scoped3A_240 : memref<!tpu.dma_semaphore, #tpu.memory_space<semaphore_mem>>) src(%dma_wait3A_264 : memref<2x128xi32, #tpu.memory_space<hbm>>) dst(%dma_wait3A_262 : memref<2x128xi32, #tpu.memory_space<vmem>>)
      tpu.yield
    }) : () -> ()
    %dma_start3A = arith.constant 0 : i32
    %dma_start3A_5 = arith.constant 0 : i32
    %dma_start3A_6 = arith.constant 0 : i32
    %dma_start3A_7 = arith.constant 0 : i32
    %dma_start3A_8 = arith.constant 0 : i32
    %dma_start3A_9 = tpu.memref_slice %arg6[%dma_start3A_6, %dma_start3A_7, %dma_start3A_8] : memref<2x256x128xf32, #tpu.memory_space<vmem>> -> memref<1x128x128xf32, #tpu.memory_space<vmem>>
    %dma_start3A_10 = tpu.memref_squeeze %dma_start3A_9 : memref<1x128x128xf32, #tpu.memory_space<vmem>> -> memref<128x128xf32, #tpu.memory_space<vmem>>
    %dma_start3A_11 = arith.constant 0 : i32
    %dma_start3A_12 = tpu.memref_slice %arg5[%dma_start3A, %dma_start3A_5, %dma_start3A_11] : memref<2x2x128xi32, #tpu.memory_space<vmem>> -> memref<1x1x128xi32, #tpu.memory_space<vmem>>
    %dma_start3A_13 = tpu.memref_squeeze %dma_start3A_12 : memref<1x1x128xi32, #tpu.memory_space<vmem>> -> memref<128xi32, #tpu.memory_space<vmem>>
    %dma_start3A_14 = arith.constant 0 : i32
    %dma_start3A_15 = arith.constant 0 : i32
    %dma_start3A_16 = tpu.memref_slice %arg3[%dma_start3A_14, %dma_start3A_15] : memref<512000x128xf32, #tpu.memory_space<hbm>> -> memref<512000x128xf32, #tpu.memory_space<hbm>>
    tpu.enqueue_indirect_dma source(%dma_start3A_16 : memref<512000x128xf32, #tpu.memory_space<hbm>>) target(%dma_start3A_10 : memref<128x128xf32, #tpu.memory_space<vmem>>) offsets(%dma_start3A_13 : memref<128xi32, #tpu.memory_space<vmem>>) semaphore(%arg7 : memref<!tpu.dma_semaphore, #tpu.memory_space<semaphore_mem>>)
    %dma_start3A_17 = arith.constant 0 : i32
    %dma_start3A_18 = arith.constant 1 : i32
    %dma_start3A_19 = arith.constant 0 : i32
    %dma_start3A_20 = arith.constant 128 : i32
    %dma_start3A_21 = arith.constant 0 : i32
    %dma_start3A_22 = tpu.memref_slice %arg6[%dma_start3A_19, %dma_start3A_20, %dma_start3A_21] : memref<2x256x128xf32, #tpu.memory_space<vmem>> -> memref<1x128x128xf32, #tpu.memory_space<vmem>>
    %dma_start3A_23 = tpu.memref_squeeze %dma_start3A_22 : memref<1x128x128xf32, #tpu.memory_space<vmem>> -> memref<128x128xf32, #tpu.memory_space<vmem>>
    %dma_start3A_24 = arith.constant 0 : i32
    %dma_start3A_25 = tpu.memref_slice %arg5[%dma_start3A_17, %dma_start3A_18, %dma_start3A_24] : memref<2x2x128xi32, #tpu.memory_space<vmem>> -> memref<1x1x128xi32, #tpu.memory_space<vmem>>
    %dma_start3A_26 = tpu.memref_squeeze %dma_start3A_25 : memref<1x1x128xi32, #tpu.memory_space<vmem>> -> memref<128xi32, #tpu.memory_space<vmem>>
    %dma_start3A_27 = arith.constant 0 : i32
    %dma_start3A_28 = arith.constant 0 : i32
    %dma_start3A_29 = tpu.memref_slice %arg3[%dma_start3A_27, %dma_start3A_28] : memref<512000x128xf32, #tpu.memory_space<hbm>> -> memref<512000x128xf32, #tpu.memory_space<hbm>>
    tpu.enqueue_indirect_dma source(%dma_start3A_29 : memref<512000x128xf32, #tpu.memory_space<hbm>>) target(%dma_start3A_23 : memref<128x128xf32, #tpu.memory_space<vmem>>) offsets(%dma_start3A_26 : memref<128xi32, #tpu.memory_space<vmem>>) semaphore(%arg7 : memref<!tpu.dma_semaphore, #tpu.memory_space<semaphore_mem>>)
    %dma_wait3A = arith.constant 0 : i32
    %dma_wait3A_30 = arith.constant 0 : i32
    %dma_wait3A_31 = arith.constant 0 : i32
    %dma_wait3A_32 = arith.constant 0 : i32
    %dma_wait3A_33 = arith.constant 0 : i32
    %dma_wait3A_34 = tpu.memref_slice %arg6[%dma_wait3A_31, %dma_wait3A_32, %dma_wait3A_33] : memref<2x256x128xf32, #tpu.memory_space<vmem>> -> memref<1x128x128xf32, #tpu.memory_space<vmem>>
    %dma_wait3A_35 = tpu.memref_squeeze %dma_wait3A_34 : memref<1x128x128xf32, #tpu.memory_space<vmem>> -> memref<128x128xf32, #tpu.memory_space<vmem>>
    %dma_wait3A_36 = arith.constant 0 : i32
    %dma_wait3A_37 = tpu.memref_slice %arg5[%dma_wait3A, %dma_wait3A_30, %dma_wait3A_36] : memref<2x2x128xi32, #tpu.memory_space<vmem>> -> memref<1x1x128xi32, #tpu.memory_space<vmem>>
    %dma_wait3A_38 = tpu.memref_squeeze %dma_wait3A_37 : memref<1x1x128xi32, #tpu.memory_space<vmem>> -> memref<128xi32, #tpu.memory_space<vmem>>
    %dma_wait3A_39 = arith.constant 0 : i32
    %dma_wait3A_40 = arith.constant 0 : i32
    %dma_wait3A_41 = tpu.memref_slice %arg3[%dma_wait3A_39, %dma_wait3A_40] : memref<512000x128xf32, #tpu.memory_space<hbm>> -> memref<512000x128xf32, #tpu.memory_space<hbm>>
    tpu.wait_indirect_dma semaphore(%arg7 : memref<!tpu.dma_semaphore, #tpu.memory_space<semaphore_mem>>) src(%dma_wait3A_41 : memref<512000x128xf32, #tpu.memory_space<hbm>>) dst(%dma_wait3A_35 : memref<128x128xf32, #tpu.memory_space<vmem>>)
    %dma_wait3A_42 = arith.constant 0 : i32
    %dma_wait3A_43 = arith.constant 1 : i32
    %dma_wait3A_44 = arith.constant 0 : i32
    %dma_wait3A_45 = arith.constant 128 : i32
    %dma_wait3A_46 = arith.constant 0 : i32
    %dma_wait3A_47 = tpu.memref_slice %arg6[%dma_wait3A_44, %dma_wait3A_45, %dma_wait3A_46] : memref<2x256x128xf32, #tpu.memory_space<vmem>> -> memref<1x128x128xf32, #tpu.memory_space<vmem>>
    %dma_wait3A_48 = tpu.memref_squeeze %dma_wait3A_47 : memref<1x128x128xf32, #tpu.memory_space<vmem>> -> memref<128x128xf32, #tpu.memory_space<vmem>>
    %dma_wait3A_49 = arith.constant 0 : i32
    %dma_wait3A_50 = tpu.memref_slice %arg5[%dma_wait3A_42, %dma_wait3A_43, %dma_wait3A_49] : memref<2x2x128xi32, #tpu.memory_space<vmem>> -> memref<1x1x128xi32, #tpu.memory_space<vmem>>
    %dma_wait3A_51 = tpu.memref_squeeze %dma_wait3A_50 : memref<1x1x128xi32, #tpu.memory_space<vmem>> -> memref<128xi32, #tpu.memory_space<vmem>>
    %dma_wait3A_52 = arith.constant 0 : i32
    %dma_wait3A_53 = arith.constant 0 : i32
    %dma_wait3A_54 = tpu.memref_slice %arg3[%dma_wait3A_52, %dma_wait3A_53] : memref<512000x128xf32, #tpu.memory_space<hbm>> -> memref<512000x128xf32, #tpu.memory_space<hbm>>
    tpu.wait_indirect_dma semaphore(%arg7 : memref<!tpu.dma_semaphore, #tpu.memory_space<semaphore_mem>>) src(%dma_wait3A_54 : memref<512000x128xf32, #tpu.memory_space<hbm>>) dst(%dma_wait3A_48 : memref<128x128xf32, #tpu.memory_space<vmem>>)
    %add3A_55 = arith.constant 1 : i32
    %add3A_56 = arith.addi %mul3A_2, %add3A_55 : i32
    %mul3A_57 = arith.constant 2 : i32
    %mul3A_58 = arith.muli %add3A_56, %mul3A_57 : i32
    %run_scoped3A_59 = arith.constant 1 : i32
    "tpu.region"() ({
      %run_scoped3A_240 = tpu.sem_alloc : memref<!tpu.dma_semaphore, #tpu.memory_space<semaphore_mem>>
      %dma_start3A_241 = arith.constant 0 : i32
      %dma_start3A_242 = arith.constant 0 : i32
      %dma_start3A_243 = tpu.memref_slice %arg5[%run_scoped3A_59, %dma_start3A_241, %dma_start3A_242] : memref<2x2x128xi32, #tpu.memory_space<vmem>> -> memref<1x2x128xi32, #tpu.memory_space<vmem>>
      %dma_start3A_244 = tpu.memref_squeeze %dma_start3A_243 : memref<1x2x128xi32, #tpu.memory_space<vmem>> -> memref<2x128xi32, #tpu.memory_space<vmem>>
      %dma_start3A_245 = arith.constant 0 : i32
      %dma_start3A_246 = tpu.memref_slice %arg2[%mul3A_58, %dma_start3A_245] : memref<6400x128xi32, #tpu.memory_space<hbm>> -> memref<2x128xi32, #tpu.memory_space<hbm>>
      %dma_start3A_247 = arith.constant 0 : i32
      %dma_start3A_248 = arith.constant 0 : i32
      %dma_start3A_249 = tpu.memref_slice %arg5[%run_scoped3A_59, %dma_start3A_247, %dma_start3A_248] : memref<2x2x128xi32, #tpu.memory_space<vmem>> -> memref<1x2x128xi32, #tpu.memory_space<vmem>>
      %dma_start3A_250 = tpu.memref_squeeze %dma_start3A_249 : memref<1x2x128xi32, #tpu.memory_space<vmem>> -> memref<2x128xi32, #tpu.memory_space<vmem>>
      %dma_start3A_251 = arith.constant 0 : i32
      %dma_start3A_252 = tpu.memref_slice %arg2[%mul3A_58, %dma_start3A_251] : memref<6400x128xi32, #tpu.memory_space<hbm>> -> memref<2x128xi32, #tpu.memory_space<hbm>>
      tpu.enqueue_dma source(%dma_start3A_252 : memref<2x128xi32, #tpu.memory_space<hbm>>) target(%dma_start3A_250 : memref<2x128xi32, #tpu.memory_space<vmem>>) target_semaphore(%run_scoped3A_240 : memref<!tpu.dma_semaphore, #tpu.memory_space<semaphore_mem>>)
      %dma_wait3A_253 = arith.constant 0 : i32
      %dma_wait3A_254 = arith.constant 0 : i32
      %dma_wait3A_255 = tpu.memref_slice %arg5[%run_scoped3A_59, %dma_wait3A_253, %dma_wait3A_254] : memref<2x2x128xi32, #tpu.memory_space<vmem>> -> memref<1x2x128xi32, #tpu.memory_space<vmem>>
      %dma_wait3A_256 = tpu.memref_squeeze %dma_wait3A_255 : memref<1x2x128xi32, #tpu.memory_space<vmem>> -> memref<2x128xi32, #tpu.memory_space<vmem>>
      %dma_wait3A_257 = arith.constant 0 : i32
      %dma_wait3A_258 = tpu.memref_slice %arg2[%mul3A_58, %dma_wait3A_257] : memref<6400x128xi32, #tpu.memory_space<hbm>> -> memref<2x128xi32, #tpu.memory_space<hbm>>
      %dma_wait3A_259 = arith.constant 0 : i32
      %dma_wait3A_260 = arith.constant 0 : i32
      %dma_wait3A_261 = tpu.memref_slice %arg5[%run_scoped3A_59, %dma_wait3A_259, %dma_wait3A_260] : memref<2x2x128xi32, #tpu.memory_space<vmem>> -> memref<1x2x128xi32, #tpu.memory_space<vmem>>
      %dma_wait3A_262 = tpu.memref_squeeze %dma_wait3A_261 : memref<1x2x128xi32, #tpu.memory_space<vmem>> -> memref<2x128xi32, #tpu.memory_space<vmem>>
      %dma_wait3A_263 = arith.constant 0 : i32
      %dma_wait3A_264 = tpu.memref_slice %arg2[%mul3A_58, %dma_wait3A_263] : memref<6400x128xi32, #tpu.memory_space<hbm>> -> memref<2x128xi32, #tpu.memory_space<hbm>>
      tpu.wait_dma2 semaphore(%run_scoped3A_240 : memref<!tpu.dma_semaphore, #tpu.memory_space<semaphore_mem>>) src(%dma_wait3A_264 : memref<2x128xi32, #tpu.memory_space<hbm>>) dst(%dma_wait3A_262 : memref<2x128xi32, #tpu.memory_space<vmem>>)
      tpu.yield
    }) : () -> ()
    %dma_start3A_60 = arith.constant 1 : i32
    %dma_start3A_61 = arith.constant 0 : i32
    %dma_start3A_62 = arith.constant 1 : i32
    %dma_start3A_63 = arith.constant 0 : i32
    %dma_start3A_64 = arith.constant 0 : i32
    %dma_start3A_65 = tpu.memref_slice %arg6[%dma_start3A_62, %dma_start3A_63, %dma_start3A_64] : memref<2x256x128xf32, #tpu.memory_space<vmem>> -> memref<1x128x128xf32, #tpu.memory_space<vmem>>
    %dma_start3A_66 = tpu.memref_squeeze %dma_start3A_65 : memref<1x128x128xf32, #tpu.memory_space<vmem>> -> memref<128x128xf32, #tpu.memory_space<vmem>>
    %dma_start3A_67 = arith.constant 0 : i32
    %dma_start3A_68 = tpu.memref_slice %arg5[%dma_start3A_60, %dma_start3A_61, %dma_start3A_67] : memref<2x2x128xi32, #tpu.memory_space<vmem>> -> memref<1x1x128xi32, #tpu.memory_space<vmem>>
    %dma_start3A_69 = tpu.memref_squeeze %dma_start3A_68 : memref<1x1x128xi32, #tpu.memory_space<vmem>> -> memref<128xi32, #tpu.memory_space<vmem>>
    %dma_start3A_70 = arith.constant 0 : i32
    %dma_start3A_71 = arith.constant 0 : i32
    %dma_start3A_72 = tpu.memref_slice %arg3[%dma_start3A_70, %dma_start3A_71] : memref<512000x128xf32, #tpu.memory_space<hbm>> -> memref<512000x128xf32, #tpu.memory_space<hbm>>
    tpu.enqueue_indirect_dma source(%dma_start3A_72 : memref<512000x128xf32, #tpu.memory_space<hbm>>) target(%dma_start3A_66 : memref<128x128xf32, #tpu.memory_space<vmem>>) offsets(%dma_start3A_69 : memref<128xi32, #tpu.memory_space<vmem>>) semaphore(%arg7 : memref<!tpu.dma_semaphore, #tpu.memory_space<semaphore_mem>>)
    %dma_start3A_73 = arith.constant 1 : i32
    %dma_start3A_74 = arith.constant 1 : i32
    %dma_start3A_75 = arith.constant 1 : i32
    %dma_start3A_76 = arith.constant 128 : i32
    %dma_start3A_77 = arith.constant 0 : i32
    %dma_start3A_78 = tpu.memref_slice %arg6[%dma_start3A_75, %dma_start3A_76, %dma_start3A_77] : memref<2x256x128xf32, #tpu.memory_space<vmem>> -> memref<1x128x128xf32, #tpu.memory_space<vmem>>
    %dma_start3A_79 = tpu.memref_squeeze %dma_start3A_78 : memref<1x128x128xf32, #tpu.memory_space<vmem>> -> memref<128x128xf32, #tpu.memory_space<vmem>>
    %dma_start3A_80 = arith.constant 0 : i32
    %dma_start3A_81 = tpu.memref_slice %arg5[%dma_start3A_73, %dma_start3A_74, %dma_start3A_80] : memref<2x2x128xi32, #tpu.memory_space<vmem>> -> memref<1x1x128xi32, #tpu.memory_space<vmem>>
    %dma_start3A_82 = tpu.memref_squeeze %dma_start3A_81 : memref<1x1x128xi32, #tpu.memory_space<vmem>> -> memref<128xi32, #tpu.memory_space<vmem>>
    %dma_start3A_83 = arith.constant 0 : i32
    %dma_start3A_84 = arith.constant 0 : i32
    %dma_start3A_85 = tpu.memref_slice %arg3[%dma_start3A_83, %dma_start3A_84] : memref<512000x128xf32, #tpu.memory_space<hbm>> -> memref<512000x128xf32, #tpu.memory_space<hbm>>
    tpu.enqueue_indirect_dma source(%dma_start3A_85 : memref<512000x128xf32, #tpu.memory_space<hbm>>) target(%dma_start3A_79 : memref<128x128xf32, #tpu.memory_space<vmem>>) offsets(%dma_start3A_82 : memref<128xi32, #tpu.memory_space<vmem>>) semaphore(%arg7 : memref<!tpu.dma_semaphore, #tpu.memory_space<semaphore_mem>>)
    %mul3A_86 = arith.constant 2 : i32
    %mul3A_87 = arith.muli %mul3A_2, %mul3A_86 : i32
    %mul3A_88 = arith.constant 128 : i32
    %mul3A_89 = arith.muli %mul3A_87, %mul3A_88 : i32
    %dma_start3A_90 = arith.constant 0 : i32
    %dma_start3A_91 = arith.constant 0 : i32
    %dma_start3A_92 = arith.constant 0 : i32
    %dma_start3A_93 = tpu.memref_slice %arg6[%dma_start3A_90, %dma_start3A_91, %dma_start3A_92] : memref<2x256x128xf32, #tpu.memory_space<vmem>> -> memref<1x256x128xf32, #tpu.memory_space<vmem>>
    %dma_start3A_94 = tpu.memref_squeeze %dma_start3A_93 : memref<1x256x128xf32, #tpu.memory_space<vmem>> -> memref<256x128xf32, #tpu.memory_space<vmem>>
    %dma_start3A_95 = arith.constant 0 : i32
    %dma_start3A_96 = tpu.memref_slice %arg4[%mul3A_89, %dma_start3A_95] : memref<819200x128xf32, #tpu.memory_space<hbm>> -> memref<256x128xf32, #tpu.memory_space<hbm>>
    %dma_start3A_97 = arith.constant 0 : i32
    %dma_start3A_98 = tpu.memref_slice %arg4[%mul3A_89, %dma_start3A_97] : memref<819200x128xf32, #tpu.memory_space<hbm>> -> memref<256x128xf32, #tpu.memory_space<hbm>>
    %dma_start3A_99 = arith.constant 0 : i32
    %dma_start3A_100 = arith.constant 0 : i32
    %dma_start3A_101 = tpu.memref_slice %arg6[%dma_start3A_90, %dma_start3A_99, %dma_start3A_100] : memref<2x256x128xf32, #tpu.memory_space<vmem>> -> memref<1x256x128xf32, #tpu.memory_space<vmem>>
    %dma_start3A_102 = tpu.memref_squeeze %dma_start3A_101 : memref<1x256x128xf32, #tpu.memory_space<vmem>> -> memref<256x128xf32, #tpu.memory_space<vmem>>
    tpu.enqueue_dma source(%dma_start3A_102 : memref<256x128xf32, #tpu.memory_space<vmem>>) target(%dma_start3A_98 : memref<256x128xf32, #tpu.memory_space<hbm>>) target_semaphore(%arg8 : memref<!tpu.dma_semaphore, #tpu.memory_space<semaphore_mem>>)
    %dma_wait3A_103 = arith.constant 1 : i32
    %dma_wait3A_104 = arith.constant 0 : i32
    %dma_wait3A_105 = arith.constant 1 : i32
    %dma_wait3A_106 = arith.constant 0 : i32
    %dma_wait3A_107 = arith.constant 0 : i32
    %dma_wait3A_108 = tpu.memref_slice %arg6[%dma_wait3A_105, %dma_wait3A_106, %dma_wait3A_107] : memref<2x256x128xf32, #tpu.memory_space<vmem>> -> memref<1x128x128xf32, #tpu.memory_space<vmem>>
    %dma_wait3A_109 = tpu.memref_squeeze %dma_wait3A_108 : memref<1x128x128xf32, #tpu.memory_space<vmem>> -> memref<128x128xf32, #tpu.memory_space<vmem>>
    %dma_wait3A_110 = arith.constant 0 : i32
    %dma_wait3A_111 = tpu.memref_slice %arg5[%dma_wait3A_103, %dma_wait3A_104, %dma_wait3A_110] : memref<2x2x128xi32, #tpu.memory_space<vmem>> -> memref<1x1x128xi32, #tpu.memory_space<vmem>>
    %dma_wait3A_112 = tpu.memref_squeeze %dma_wait3A_111 : memref<1x1x128xi32, #tpu.memory_space<vmem>> -> memref<128xi32, #tpu.memory_space<vmem>>
    %dma_wait3A_113 = arith.constant 0 : i32
    %dma_wait3A_114 = arith.constant 0 : i32
    %dma_wait3A_115 = tpu.memref_slice %arg3[%dma_wait3A_113, %dma_wait3A_114] : memref<512000x128xf32, #tpu.memory_space<hbm>> -> memref<512000x128xf32, #tpu.memory_space<hbm>>
    tpu.wait_indirect_dma semaphore(%arg7 : memref<!tpu.dma_semaphore, #tpu.memory_space<semaphore_mem>>) src(%dma_wait3A_115 : memref<512000x128xf32, #tpu.memory_space<hbm>>) dst(%dma_wait3A_109 : memref<128x128xf32, #tpu.memory_space<vmem>>)
    %dma_wait3A_116 = arith.constant 1 : i32
    %dma_wait3A_117 = arith.constant 1 : i32
    %dma_wait3A_118 = arith.constant 1 : i32
    %dma_wait3A_119 = arith.constant 128 : i32
    %dma_wait3A_120 = arith.constant 0 : i32
    %dma_wait3A_121 = tpu.memref_slice %arg6[%dma_wait3A_118, %dma_wait3A_119, %dma_wait3A_120] : memref<2x256x128xf32, #tpu.memory_space<vmem>> -> memref<1x128x128xf32, #tpu.memory_space<vmem>>
    %dma_wait3A_122 = tpu.memref_squeeze %dma_wait3A_121 : memref<1x128x128xf32, #tpu.memory_space<vmem>> -> memref<128x128xf32, #tpu.memory_space<vmem>>
    %dma_wait3A_123 = arith.constant 0 : i32
    %dma_wait3A_124 = tpu.memref_slice %arg5[%dma_wait3A_116, %dma_wait3A_117, %dma_wait3A_123] : memref<2x2x128xi32, #tpu.memory_space<vmem>> -> memref<1x1x128xi32, #tpu.memory_space<vmem>>
    %dma_wait3A_125 = tpu.memref_squeeze %dma_wait3A_124 : memref<1x1x128xi32, #tpu.memory_space<vmem>> -> memref<128xi32, #tpu.memory_space<vmem>>
    %dma_wait3A_126 = arith.constant 0 : i32
    %dma_wait3A_127 = arith.constant 0 : i32
    %dma_wait3A_128 = tpu.memref_slice %arg3[%dma_wait3A_126, %dma_wait3A_127] : memref<512000x128xf32, #tpu.memory_space<hbm>> -> memref<512000x128xf32, #tpu.memory_space<hbm>>
    tpu.wait_indirect_dma semaphore(%arg7 : memref<!tpu.dma_semaphore, #tpu.memory_space<semaphore_mem>>) src(%dma_wait3A_128 : memref<512000x128xf32, #tpu.memory_space<hbm>>) dst(%dma_wait3A_122 : memref<128x128xf32, #tpu.memory_space<vmem>>)
    %dma_wait3A_129 = arith.constant 0 : i32
    %dma_wait3A_130 = arith.constant 0 : i32
    %dma_wait3A_131 = arith.constant 0 : i32
    %dma_wait3A_132 = tpu.memref_slice %arg6[%dma_wait3A_129, %dma_wait3A_130, %dma_wait3A_131] : memref<2x256x128xf32, #tpu.memory_space<vmem>> -> memref<1x256x128xf32, #tpu.memory_space<vmem>>
    %dma_wait3A_133 = tpu.memref_squeeze %dma_wait3A_132 : memref<1x256x128xf32, #tpu.memory_space<vmem>> -> memref<256x128xf32, #tpu.memory_space<vmem>>
    %dma_wait3A_134 = arith.constant 0 : i32
    %dma_wait3A_135 = arith.constant 0 : i32
    %dma_wait3A_136 = tpu.memref_slice %arg4[%dma_wait3A_134, %dma_wait3A_135] : memref<819200x128xf32, #tpu.memory_space<hbm>> -> memref<256x128xf32, #tpu.memory_space<hbm>>
    %dma_wait3A_137 = arith.constant 0 : i32
    %dma_wait3A_138 = arith.constant 0 : i32
    %dma_wait3A_139 = tpu.memref_slice %arg4[%dma_wait3A_137, %dma_wait3A_138] : memref<819200x128xf32, #tpu.memory_space<hbm>> -> memref<256x128xf32, #tpu.memory_space<hbm>>
    %dma_wait3A_140 = arith.constant 0 : i32
    %dma_wait3A_141 = arith.constant 0 : i32
    %dma_wait3A_142 = tpu.memref_slice %arg6[%dma_wait3A_129, %dma_wait3A_140, %dma_wait3A_141] : memref<2x256x128xf32, #tpu.memory_space<vmem>> -> memref<1x256x128xf32, #tpu.memory_space<vmem>>
    %dma_wait3A_143 = tpu.memref_squeeze %dma_wait3A_142 : memref<1x256x128xf32, #tpu.memory_space<vmem>> -> memref<256x128xf32, #tpu.memory_space<vmem>>
    tpu.wait_dma2 semaphore(%arg8 : memref<!tpu.dma_semaphore, #tpu.memory_space<semaphore_mem>>) src(%dma_wait3A_143 : memref<256x128xf32, #tpu.memory_space<vmem>>) dst(%dma_wait3A_139 : memref<256x128xf32, #tpu.memory_space<hbm>>)
    %add3A_144 = arith.constant 2 : i32
    %add3A_145 = arith.addi %mul3A_2, %add3A_144 : i32
    %mul3A_146 = arith.constant 2 : i32
    %mul3A_147 = arith.muli %add3A_145, %mul3A_146 : i32
    %run_scoped3A_148 = arith.constant 0 : i32
    "tpu.region"() ({
      %run_scoped3A_240 = tpu.sem_alloc : memref<!tpu.dma_semaphore, #tpu.memory_space<semaphore_mem>>
      %dma_start3A_241 = arith.constant 0 : i32
      %dma_start3A_242 = arith.constant 0 : i32
      %dma_start3A_243 = tpu.memref_slice %arg5[%run_scoped3A_148, %dma_start3A_241, %dma_start3A_242] : memref<2x2x128xi32, #tpu.memory_space<vmem>> -> memref<1x2x128xi32, #tpu.memory_space<vmem>>
      %dma_start3A_244 = tpu.memref_squeeze %dma_start3A_243 : memref<1x2x128xi32, #tpu.memory_space<vmem>> -> memref<2x128xi32, #tpu.memory_space<vmem>>
      %dma_start3A_245 = arith.constant 0 : i32
      %dma_start3A_246 = tpu.memref_slice %arg2[%mul3A_147, %dma_start3A_245] : memref<6400x128xi32, #tpu.memory_space<hbm>> -> memref<2x128xi32, #tpu.memory_space<hbm>>
      %dma_start3A_247 = arith.constant 0 : i32
      %dma_start3A_248 = arith.constant 0 : i32
      %dma_start3A_249 = tpu.memref_slice %arg5[%run_scoped3A_148, %dma_start3A_247, %dma_start3A_248] : memref<2x2x128xi32, #tpu.memory_space<vmem>> -> memref<1x2x128xi32, #tpu.memory_space<vmem>>
      %dma_start3A_250 = tpu.memref_squeeze %dma_start3A_249 : memref<1x2x128xi32, #tpu.memory_space<vmem>> -> memref<2x128xi32, #tpu.memory_space<vmem>>
      %dma_start3A_251 = arith.constant 0 : i32
      %dma_start3A_252 = tpu.memref_slice %arg2[%mul3A_147, %dma_start3A_251] : memref<6400x128xi32, #tpu.memory_space<hbm>> -> memref<2x128xi32, #tpu.memory_space<hbm>>
      tpu.enqueue_dma source(%dma_start3A_252 : memref<2x128xi32, #tpu.memory_space<hbm>>) target(%dma_start3A_250 : memref<2x128xi32, #tpu.memory_space<vmem>>) target_semaphore(%run_scoped3A_240 : memref<!tpu.dma_semaphore, #tpu.memory_space<semaphore_mem>>)
      %dma_wait3A_253 = arith.constant 0 : i32
      %dma_wait3A_254 = arith.constant 0 : i32
      %dma_wait3A_255 = tpu.memref_slice %arg5[%run_scoped3A_148, %dma_wait3A_253, %dma_wait3A_254] : memref<2x2x128xi32, #tpu.memory_space<vmem>> -> memref<1x2x128xi32, #tpu.memory_space<vmem>>
      %dma_wait3A_256 = tpu.memref_squeeze %dma_wait3A_255 : memref<1x2x128xi32, #tpu.memory_space<vmem>> -> memref<2x128xi32, #tpu.memory_space<vmem>>
      %dma_wait3A_257 = arith.constant 0 : i32
      %dma_wait3A_258 = tpu.memref_slice %arg2[%mul3A_147, %dma_wait3A_257] : memref<6400x128xi32, #tpu.memory_space<hbm>> -> memref<2x128xi32, #tpu.memory_space<hbm>>
      %dma_wait3A_259 = arith.constant 0 : i32
      %dma_wait3A_260 = arith.constant 0 : i32
      %dma_wait3A_261 = tpu.memref_slice %arg5[%run_scoped3A_148, %dma_wait3A_259, %dma_wait3A_260] : memref<2x2x128xi32, #tpu.memory_space<vmem>> -> memref<1x2x128xi32, #tpu.memory_space<vmem>>
      %dma_wait3A_262 = tpu.memref_squeeze %dma_wait3A_261 : memref<1x2x128xi32, #tpu.memory_space<vmem>> -> memref<2x128xi32, #tpu.memory_space<vmem>>
      %dma_wait3A_263 = arith.constant 0 : i32
      %dma_wait3A_264 = tpu.memref_slice %arg2[%mul3A_147, %dma_wait3A_263] : memref<6400x128xi32, #tpu.memory_space<hbm>> -> memref<2x128xi32, #tpu.memory_space<hbm>>
      tpu.wait_dma2 semaphore(%run_scoped3A_240 : memref<!tpu.dma_semaphore, #tpu.memory_space<semaphore_mem>>) src(%dma_wait3A_264 : memref<2x128xi32, #tpu.memory_space<hbm>>) dst(%dma_wait3A_262 : memref<2x128xi32, #tpu.memory_space<vmem>>)
      tpu.yield
    }) : () -> ()
    %dma_start3A_149 = arith.constant 0 : i32
    %dma_start3A_150 = arith.constant 0 : i32
    %dma_start3A_151 = arith.constant 0 : i32
    %dma_start3A_152 = arith.constant 0 : i32
    %dma_start3A_153 = arith.constant 0 : i32
    %dma_start3A_154 = tpu.memref_slice %arg6[%dma_start3A_151, %dma_start3A_152, %dma_start3A_153] : memref<2x256x128xf32, #tpu.memory_space<vmem>> -> memref<1x128x128xf32, #tpu.memory_space<vmem>>
    %dma_start3A_155 = tpu.memref_squeeze %dma_start3A_154 : memref<1x128x128xf32, #tpu.memory_space<vmem>> -> memref<128x128xf32, #tpu.memory_space<vmem>>
    %dma_start3A_156 = arith.constant 0 : i32
    %dma_start3A_157 = tpu.memref_slice %arg5[%dma_start3A_149, %dma_start3A_150, %dma_start3A_156] : memref<2x2x128xi32, #tpu.memory_space<vmem>> -> memref<1x1x128xi32, #tpu.memory_space<vmem>>
    %dma_start3A_158 = tpu.memref_squeeze %dma_start3A_157 : memref<1x1x128xi32, #tpu.memory_space<vmem>> -> memref<128xi32, #tpu.memory_space<vmem>>
    %dma_start3A_159 = arith.constant 0 : i32
    %dma_start3A_160 = arith.constant 0 : i32
    %dma_start3A_161 = tpu.memref_slice %arg3[%dma_start3A_159, %dma_start3A_160] : memref<512000x128xf32, #tpu.memory_space<hbm>> -> memref<512000x128xf32, #tpu.memory_space<hbm>>
    tpu.enqueue_indirect_dma source(%dma_start3A_161 : memref<512000x128xf32, #tpu.memory_space<hbm>>) target(%dma_start3A_155 : memref<128x128xf32, #tpu.memory_space<vmem>>) offsets(%dma_start3A_158 : memref<128xi32, #tpu.memory_space<vmem>>) semaphore(%arg7 : memref<!tpu.dma_semaphore, #tpu.memory_space<semaphore_mem>>)
    %dma_start3A_162 = arith.constant 0 : i32
    %dma_start3A_163 = arith.constant 1 : i32
    %dma_start3A_164 = arith.constant 0 : i32
    %dma_start3A_165 = arith.constant 128 : i32
    %dma_start3A_166 = arith.constant 0 : i32
    %dma_start3A_167 = tpu.memref_slice %arg6[%dma_start3A_164, %dma_start3A_165, %dma_start3A_166] : memref<2x256x128xf32, #tpu.memory_space<vmem>> -> memref<1x128x128xf32, #tpu.memory_space<vmem>>
    %dma_start3A_168 = tpu.memref_squeeze %dma_start3A_167 : memref<1x128x128xf32, #tpu.memory_space<vmem>> -> memref<128x128xf32, #tpu.memory_space<vmem>>
    %dma_start3A_169 = arith.constant 0 : i32
    %dma_start3A_170 = tpu.memref_slice %arg5[%dma_start3A_162, %dma_start3A_163, %dma_start3A_169] : memref<2x2x128xi32, #tpu.memory_space<vmem>> -> memref<1x1x128xi32, #tpu.memory_space<vmem>>
    %dma_start3A_171 = tpu.memref_squeeze %dma_start3A_170 : memref<1x1x128xi32, #tpu.memory_space<vmem>> -> memref<128xi32, #tpu.memory_space<vmem>>
    %dma_start3A_172 = arith.constant 0 : i32
    %dma_start3A_173 = arith.constant 0 : i32
    %dma_start3A_174 = tpu.memref_slice %arg3[%dma_start3A_172, %dma_start3A_173] : memref<512000x128xf32, #tpu.memory_space<hbm>> -> memref<512000x128xf32, #tpu.memory_space<hbm>>
    tpu.enqueue_indirect_dma source(%dma_start3A_174 : memref<512000x128xf32, #tpu.memory_space<hbm>>) target(%dma_start3A_168 : memref<128x128xf32, #tpu.memory_space<vmem>>) offsets(%dma_start3A_171 : memref<128xi32, #tpu.memory_space<vmem>>) semaphore(%arg7 : memref<!tpu.dma_semaphore, #tpu.memory_space<semaphore_mem>>)
    %add3A_175 = arith.constant 1 : i32
    %add3A_176 = arith.addi %mul3A_2, %add3A_175 : i32
    %mul3A_177 = arith.constant 2 : i32
    %mul3A_178 = arith.muli %add3A_176, %mul3A_177 : i32
    %mul3A_179 = arith.constant 128 : i32
    %mul3A_180 = arith.muli %mul3A_178, %mul3A_179 : i32
    %dma_start3A_181 = arith.constant 1 : i32
    %dma_start3A_182 = arith.constant 0 : i32
    %dma_start3A_183 = arith.constant 0 : i32
    %dma_start3A_184 = tpu.memref_slice %arg6[%dma_start3A_181, %dma_start3A_182, %dma_start3A_183] : memref<2x256x128xf32, #tpu.memory_space<vmem>> -> memref<1x256x128xf32, #tpu.memory_space<vmem>>
    %dma_start3A_185 = tpu.memref_squeeze %dma_start3A_184 : memref<1x256x128xf32, #tpu.memory_space<vmem>> -> memref<256x128xf32, #tpu.memory_space<vmem>>
    %dma_start3A_186 = arith.constant 0 : i32
    %dma_start3A_187 = tpu.memref_slice %arg4[%mul3A_180, %dma_start3A_186] : memref<819200x128xf32, #tpu.memory_space<hbm>> -> memref<256x128xf32, #tpu.memory_space<hbm>>
    %dma_start3A_188 = arith.constant 0 : i32
    %dma_start3A_189 = tpu.memref_slice %arg4[%mul3A_180, %dma_start3A_188] : memref<819200x128xf32, #tpu.memory_space<hbm>> -> memref<256x128xf32, #tpu.memory_space<hbm>>
    %dma_start3A_190 = arith.constant 0 : i32
    %dma_start3A_191 = arith.constant 0 : i32
    %dma_start3A_192 = tpu.memref_slice %arg6[%dma_start3A_181, %dma_start3A_190, %dma_start3A_191] : memref<2x256x128xf32, #tpu.memory_space<vmem>> -> memref<1x256x128xf32, #tpu.memory_space<vmem>>
    %dma_start3A_193 = tpu.memref_squeeze %dma_start3A_192 : memref<1x256x128xf32, #tpu.memory_space<vmem>> -> memref<256x128xf32, #tpu.memory_space<vmem>>
    tpu.enqueue_dma source(%dma_start3A_193 : memref<256x128xf32, #tpu.memory_space<vmem>>) target(%dma_start3A_189 : memref<256x128xf32, #tpu.memory_space<hbm>>) target_semaphore(%arg8 : memref<!tpu.dma_semaphore, #tpu.memory_space<semaphore_mem>>)
    %scan3A = arith.constant 0 : i32
    %scan3A_194 = arith.constant 1 : i32
    %scan3A_195 = arith.constant 49 : i32
    %scan3A_196 = arith.addi %scan3A_194, %scan3A_195 : i32
    %scan3A_197 = arith.constant 1 : i32
    scf.for %scan3A_240 = %scan3A_194 to %scan3A_196 step %scan3A_197  : i32 {
      %mul3A_241 = arith.constant 2 : i32
      %mul3A_242 = arith.muli %scan3A_240, %mul3A_241 : i32
      %add3A_243 = arith.addi %mul3A_2, %mul3A_242 : i32
      %add3A_244 = arith.constant 0 : i32
      %add3A_245 = arith.addi %add3A_243, %add3A_244 : i32
      %dma_wait3A_246 = arith.constant 0 : i32
      %dma_wait3A_247 = arith.constant 0 : i32
      %dma_wait3A_248 = arith.constant 0 : i32
      %dma_wait3A_249 = arith.constant 0 : i32
      %dma_wait3A_250 = arith.constant 0 : i32
      %dma_wait3A_251 = tpu.memref_slice %arg6[%dma_wait3A_248, %dma_wait3A_249, %dma_wait3A_250] : memref<2x256x128xf32, #tpu.memory_space<vmem>> -> memref<1x128x128xf32, #tpu.memory_space<vmem>>
      %dma_wait3A_252 = tpu.memref_squeeze %dma_wait3A_251 : memref<1x128x128xf32, #tpu.memory_space<vmem>> -> memref<128x128xf32, #tpu.memory_space<vmem>>
      %dma_wait3A_253 = arith.constant 0 : i32
      %dma_wait3A_254 = tpu.memref_slice %arg5[%dma_wait3A_246, %dma_wait3A_247, %dma_wait3A_253] : memref<2x2x128xi32, #tpu.memory_space<vmem>> -> memref<1x1x128xi32, #tpu.memory_space<vmem>>
      %dma_wait3A_255 = tpu.memref_squeeze %dma_wait3A_254 : memref<1x1x128xi32, #tpu.memory_space<vmem>> -> memref<128xi32, #tpu.memory_space<vmem>>
      %dma_wait3A_256 = arith.constant 0 : i32
      %dma_wait3A_257 = arith.constant 0 : i32
      %dma_wait3A_258 = tpu.memref_slice %arg3[%dma_wait3A_256, %dma_wait3A_257] : memref<512000x128xf32, #tpu.memory_space<hbm>> -> memref<512000x128xf32, #tpu.memory_space<hbm>>
      tpu.wait_indirect_dma semaphore(%arg7 : memref<!tpu.dma_semaphore, #tpu.memory_space<semaphore_mem>>) src(%dma_wait3A_258 : memref<512000x128xf32, #tpu.memory_space<hbm>>) dst(%dma_wait3A_252 : memref<128x128xf32, #tpu.memory_space<vmem>>)
      %dma_wait3A_259 = arith.constant 0 : i32
      %dma_wait3A_260 = arith.constant 1 : i32
      %dma_wait3A_261 = arith.constant 0 : i32
      %dma_wait3A_262 = arith.constant 128 : i32
      %dma_wait3A_263 = arith.constant 0 : i32
      %dma_wait3A_264 = tpu.memref_slice %arg6[%dma_wait3A_261, %dma_wait3A_262, %dma_wait3A_263] : memref<2x256x128xf32, #tpu.memory_space<vmem>> -> memref<1x128x128xf32, #tpu.memory_space<vmem>>
      %dma_wait3A_265 = tpu.memref_squeeze %dma_wait3A_264 : memref<1x128x128xf32, #tpu.memory_space<vmem>> -> memref<128x128xf32, #tpu.memory_space<vmem>>
      %dma_wait3A_266 = arith.constant 0 : i32
      %dma_wait3A_267 = tpu.memref_slice %arg5[%dma_wait3A_259, %dma_wait3A_260, %dma_wait3A_266] : memref<2x2x128xi32, #tpu.memory_space<vmem>> -> memref<1x1x128xi32, #tpu.memory_space<vmem>>
      %dma_wait3A_268 = tpu.memref_squeeze %dma_wait3A_267 : memref<1x1x128xi32, #tpu.memory_space<vmem>> -> memref<128xi32, #tpu.memory_space<vmem>>
      %dma_wait3A_269 = arith.constant 0 : i32
      %dma_wait3A_270 = arith.constant 0 : i32
      %dma_wait3A_271 = tpu.memref_slice %arg3[%dma_wait3A_269, %dma_wait3A_270] : memref<512000x128xf32, #tpu.memory_space<hbm>> -> memref<512000x128xf32, #tpu.memory_space<hbm>>
      tpu.wait_indirect_dma semaphore(%arg7 : memref<!tpu.dma_semaphore, #tpu.memory_space<semaphore_mem>>) src(%dma_wait3A_271 : memref<512000x128xf32, #tpu.memory_space<hbm>>) dst(%dma_wait3A_265 : memref<128x128xf32, #tpu.memory_space<vmem>>)
      %dma_wait3A_272 = arith.constant 1 : i32
      %dma_wait3A_273 = arith.constant 0 : i32
      %dma_wait3A_274 = arith.constant 0 : i32
      %dma_wait3A_275 = tpu.memref_slice %arg6[%dma_wait3A_272, %dma_wait3A_273, %dma_wait3A_274] : memref<2x256x128xf32, #tpu.memory_space<vmem>> -> memref<1x256x128xf32, #tpu.memory_space<vmem>>
      %dma_wait3A_276 = tpu.memref_squeeze %dma_wait3A_275 : memref<1x256x128xf32, #tpu.memory_space<vmem>> -> memref<256x128xf32, #tpu.memory_space<vmem>>
      %dma_wait3A_277 = arith.constant 0 : i32
      %dma_wait3A_278 = arith.constant 0 : i32
      %dma_wait3A_279 = tpu.memref_slice %arg4[%dma_wait3A_277, %dma_wait3A_278] : memref<819200x128xf32, #tpu.memory_space<hbm>> -> memref<256x128xf32, #tpu.memory_space<hbm>>
      %dma_wait3A_280 = arith.constant 0 : i32
      %dma_wait3A_281 = arith.constant 0 : i32
      %dma_wait3A_282 = tpu.memref_slice %arg4[%dma_wait3A_280, %dma_wait3A_281] : memref<819200x128xf32, #tpu.memory_space<hbm>> -> memref<256x128xf32, #tpu.memory_space<hbm>>
      %dma_wait3A_283 = arith.constant 0 : i32
      %dma_wait3A_284 = arith.constant 0 : i32
      %dma_wait3A_285 = tpu.memref_slice %arg6[%dma_wait3A_272, %dma_wait3A_283, %dma_wait3A_284] : memref<2x256x128xf32, #tpu.memory_space<vmem>> -> memref<1x256x128xf32, #tpu.memory_space<vmem>>
      %dma_wait3A_286 = tpu.memref_squeeze %dma_wait3A_285 : memref<1x256x128xf32, #tpu.memory_space<vmem>> -> memref<256x128xf32, #tpu.memory_space<vmem>>
      tpu.wait_dma2 semaphore(%arg8 : memref<!tpu.dma_semaphore, #tpu.memory_space<semaphore_mem>>) src(%dma_wait3A_286 : memref<256x128xf32, #tpu.memory_space<vmem>>) dst(%dma_wait3A_282 : memref<256x128xf32, #tpu.memory_space<hbm>>)
      %add3A_287 = arith.constant 1 : i32
      %add3A_288 = arith.addi %add3A_245, %add3A_287 : i32
      %rem3A = arith.constant 3200 : i32
      %rem3A_289 = arith.remsi %add3A_288, %rem3A : i32
      %mul3A_290 = arith.constant 2 : i32
      %mul3A_291 = arith.muli %rem3A_289, %mul3A_290 : i32
      %run_scoped3A_292 = arith.constant 1 : i32
      "tpu.region"() ({
        %run_scoped3A_432 = tpu.sem_alloc : memref<!tpu.dma_semaphore, #tpu.memory_space<semaphore_mem>>
        %dma_start3A_433 = arith.constant 0 : i32
        %dma_start3A_434 = arith.constant 0 : i32
        %dma_start3A_435 = tpu.memref_slice %arg5[%run_scoped3A_292, %dma_start3A_433, %dma_start3A_434] : memref<2x2x128xi32, #tpu.memory_space<vmem>> -> memref<1x2x128xi32, #tpu.memory_space<vmem>>
        %dma_start3A_436 = tpu.memref_squeeze %dma_start3A_435 : memref<1x2x128xi32, #tpu.memory_space<vmem>> -> memref<2x128xi32, #tpu.memory_space<vmem>>
        %dma_start3A_437 = arith.constant 0 : i32
        %dma_start3A_438 = tpu.memref_slice %arg2[%mul3A_291, %dma_start3A_437] : memref<6400x128xi32, #tpu.memory_space<hbm>> -> memref<2x128xi32, #tpu.memory_space<hbm>>
        %dma_start3A_439 = arith.constant 0 : i32
        %dma_start3A_440 = arith.constant 0 : i32
        %dma_start3A_441 = tpu.memref_slice %arg5[%run_scoped3A_292, %dma_start3A_439, %dma_start3A_440] : memref<2x2x128xi32, #tpu.memory_space<vmem>> -> memref<1x2x128xi32, #tpu.memory_space<vmem>>
        %dma_start3A_442 = tpu.memref_squeeze %dma_start3A_441 : memref<1x2x128xi32, #tpu.memory_space<vmem>> -> memref<2x128xi32, #tpu.memory_space<vmem>>
        %dma_start3A_443 = arith.constant 0 : i32
        %dma_start3A_444 = tpu.memref_slice %arg2[%mul3A_291, %dma_start3A_443] : memref<6400x128xi32, #tpu.memory_space<hbm>> -> memref<2x128xi32, #tpu.memory_space<hbm>>
        tpu.enqueue_dma source(%dma_start3A_444 : memref<2x128xi32, #tpu.memory_space<hbm>>) target(%dma_start3A_442 : memref<2x128xi32, #tpu.memory_space<vmem>>) target_semaphore(%run_scoped3A_432 : memref<!tpu.dma_semaphore, #tpu.memory_space<semaphore_mem>>)
        %dma_wait3A_445 = arith.constant 0 : i32
        %dma_wait3A_446 = arith.constant 0 : i32
        %dma_wait3A_447 = tpu.memref_slice %arg5[%run_scoped3A_292, %dma_wait3A_445, %dma_wait3A_446] : memref<2x2x128xi32, #tpu.memory_space<vmem>> -> memref<1x2x128xi32, #tpu.memory_space<vmem>>
        %dma_wait3A_448 = tpu.memref_squeeze %dma_wait3A_447 : memref<1x2x128xi32, #tpu.memory_space<vmem>> -> memref<2x128xi32, #tpu.memory_space<vmem>>
        %dma_wait3A_449 = arith.constant 0 : i32
        %dma_wait3A_450 = tpu.memref_slice %arg2[%mul3A_291, %dma_wait3A_449] : memref<6400x128xi32, #tpu.memory_space<hbm>> -> memref<2x128xi32, #tpu.memory_space<hbm>>
        %dma_wait3A_451 = arith.constant 0 : i32
        %dma_wait3A_452 = arith.constant 0 : i32
        %dma_wait3A_453 = tpu.memref_slice %arg5[%run_scoped3A_292, %dma_wait3A_451, %dma_wait3A_452] : memref<2x2x128xi32, #tpu.memory_space<vmem>> -> memref<1x2x128xi32, #tpu.memory_space<vmem>>
        %dma_wait3A_454 = tpu.memref_squeeze %dma_wait3A_453 : memref<1x2x128xi32, #tpu.memory_space<vmem>> -> memref<2x128xi32, #tpu.memory_space<vmem>>
        %dma_wait3A_455 = arith.constant 0 : i32
        %dma_wait3A_456 = tpu.memref_slice %arg2[%mul3A_291, %dma_wait3A_455] : memref<6400x128xi32, #tpu.memory_space<hbm>> -> memref<2x128xi32, #tpu.memory_space<hbm>>
        tpu.wait_dma2 semaphore(%run_scoped3A_432 : memref<!tpu.dma_semaphore, #tpu.memory_space<semaphore_mem>>) src(%dma_wait3A_456 : memref<2x128xi32, #tpu.memory_space<hbm>>) dst(%dma_wait3A_454 : memref<2x128xi32, #tpu.memory_space<vmem>>)
        tpu.yield
      }) : () -> ()
      %dma_start3A_293 = arith.constant 1 : i32
      %dma_start3A_294 = arith.constant 0 : i32
      %dma_start3A_295 = arith.constant 1 : i32
      %dma_start3A_296 = arith.constant 0 : i32
      %dma_start3A_297 = arith.constant 0 : i32
      %dma_start3A_298 = tpu.memref_slice %arg6[%dma_start3A_295, %dma_start3A_296, %dma_start3A_297] : memref<2x256x128xf32, #tpu.memory_space<vmem>> -> memref<1x128x128xf32, #tpu.memory_space<vmem>>
      %dma_start3A_299 = tpu.memref_squeeze %dma_start3A_298 : memref<1x128x128xf32, #tpu.memory_space<vmem>> -> memref<128x128xf32, #tpu.memory_space<vmem>>
      %dma_start3A_300 = arith.constant 0 : i32
      %dma_start3A_301 = tpu.memref_slice %arg5[%dma_start3A_293, %dma_start3A_294, %dma_start3A_300] : memref<2x2x128xi32, #tpu.memory_space<vmem>> -> memref<1x1x128xi32, #tpu.memory_space<vmem>>
      %dma_start3A_302 = tpu.memref_squeeze %dma_start3A_301 : memref<1x1x128xi32, #tpu.memory_space<vmem>> -> memref<128xi32, #tpu.memory_space<vmem>>
      %dma_start3A_303 = arith.constant 0 : i32
      %dma_start3A_304 = arith.constant 0 : i32
      %dma_start3A_305 = tpu.memref_slice %arg3[%dma_start3A_303, %dma_start3A_304] : memref<512000x128xf32, #tpu.memory_space<hbm>> -> memref<512000x128xf32, #tpu.memory_space<hbm>>
      tpu.enqueue_indirect_dma source(%dma_start3A_305 : memref<512000x128xf32, #tpu.memory_space<hbm>>) target(%dma_start3A_299 : memref<128x128xf32, #tpu.memory_space<vmem>>) offsets(%dma_start3A_302 : memref<128xi32, #tpu.memory_space<vmem>>) semaphore(%arg7 : memref<!tpu.dma_semaphore, #tpu.memory_space<semaphore_mem>>)
      %dma_start3A_306 = arith.constant 1 : i32
      %dma_start3A_307 = arith.constant 1 : i32
      %dma_start3A_308 = arith.constant 1 : i32
      %dma_start3A_309 = arith.constant 128 : i32
      %dma_start3A_310 = arith.constant 0 : i32
      %dma_start3A_311 = tpu.memref_slice %arg6[%dma_start3A_308, %dma_start3A_309, %dma_start3A_310] : memref<2x256x128xf32, #tpu.memory_space<vmem>> -> memref<1x128x128xf32, #tpu.memory_space<vmem>>
      %dma_start3A_312 = tpu.memref_squeeze %dma_start3A_311 : memref<1x128x128xf32, #tpu.memory_space<vmem>> -> memref<128x128xf32, #tpu.memory_space<vmem>>
      %dma_start3A_313 = arith.constant 0 : i32
      %dma_start3A_314 = tpu.memref_slice %arg5[%dma_start3A_306, %dma_start3A_307, %dma_start3A_313] : memref<2x2x128xi32, #tpu.memory_space<vmem>> -> memref<1x1x128xi32, #tpu.memory_space<vmem>>
      %dma_start3A_315 = tpu.memref_squeeze %dma_start3A_314 : memref<1x1x128xi32, #tpu.memory_space<vmem>> -> memref<128xi32, #tpu.memory_space<vmem>>
      %dma_start3A_316 = arith.constant 0 : i32
      %dma_start3A_317 = arith.constant 0 : i32
      %dma_start3A_318 = tpu.memref_slice %arg3[%dma_start3A_316, %dma_start3A_317] : memref<512000x128xf32, #tpu.memory_space<hbm>> -> memref<512000x128xf32, #tpu.memory_space<hbm>>
      tpu.enqueue_indirect_dma source(%dma_start3A_318 : memref<512000x128xf32, #tpu.memory_space<hbm>>) target(%dma_start3A_312 : memref<128x128xf32, #tpu.memory_space<vmem>>) offsets(%dma_start3A_315 : memref<128xi32, #tpu.memory_space<vmem>>) semaphore(%arg7 : memref<!tpu.dma_semaphore, #tpu.memory_space<semaphore_mem>>)
      %mul3A_319 = arith.constant 2 : i32
      %mul3A_320 = arith.muli %add3A_245, %mul3A_319 : i32
      %mul3A_321 = arith.constant 128 : i32
      %mul3A_322 = arith.muli %mul3A_320, %mul3A_321 : i32
      %dma_start3A_323 = arith.constant 0 : i32
      %dma_start3A_324 = arith.constant 0 : i32
      %dma_start3A_325 = arith.constant 0 : i32
      %dma_start3A_326 = tpu.memref_slice %arg6[%dma_start3A_323, %dma_start3A_324, %dma_start3A_325] : memref<2x256x128xf32, #tpu.memory_space<vmem>> -> memref<1x256x128xf32, #tpu.memory_space<vmem>>
      %dma_start3A_327 = tpu.memref_squeeze %dma_start3A_326 : memref<1x256x128xf32, #tpu.memory_space<vmem>> -> memref<256x128xf32, #tpu.memory_space<vmem>>
      %dma_start3A_328 = arith.constant 0 : i32
      %dma_start3A_329 = tpu.memref_slice %arg4[%mul3A_322, %dma_start3A_328] : memref<819200x128xf32, #tpu.memory_space<hbm>> -> memref<256x128xf32, #tpu.memory_space<hbm>>
      %dma_start3A_330 = arith.constant 0 : i32
      %dma_start3A_331 = tpu.memref_slice %arg4[%mul3A_322, %dma_start3A_330] : memref<819200x128xf32, #tpu.memory_space<hbm>> -> memref<256x128xf32, #tpu.memory_space<hbm>>
      %dma_start3A_332 = arith.constant 0 : i32
      %dma_start3A_333 = arith.constant 0 : i32
      %dma_start3A_334 = tpu.memref_slice %arg6[%dma_start3A_323, %dma_start3A_332, %dma_start3A_333] : memref<2x256x128xf32, #tpu.memory_space<vmem>> -> memref<1x256x128xf32, #tpu.memory_space<vmem>>
      %dma_start3A_335 = tpu.memref_squeeze %dma_start3A_334 : memref<1x256x128xf32, #tpu.memory_space<vmem>> -> memref<256x128xf32, #tpu.memory_space<vmem>>
      tpu.enqueue_dma source(%dma_start3A_335 : memref<256x128xf32, #tpu.memory_space<vmem>>) target(%dma_start3A_331 : memref<256x128xf32, #tpu.memory_space<hbm>>) target_semaphore(%arg8 : memref<!tpu.dma_semaphore, #tpu.memory_space<semaphore_mem>>)
      %mul3A_336 = arith.constant 2 : i32
      %mul3A_337 = arith.muli %scan3A_240, %mul3A_336 : i32
      %add3A_338 = arith.addi %mul3A_2, %mul3A_337 : i32
      %add3A_339 = arith.constant 1 : i32
      %add3A_340 = arith.addi %add3A_338, %add3A_339 : i32
      %dma_wait3A_341 = arith.constant 1 : i32
      %dma_wait3A_342 = arith.constant 0 : i32
      %dma_wait3A_343 = arith.constant 1 : i32
      %dma_wait3A_344 = arith.constant 0 : i32
      %dma_wait3A_345 = arith.constant 0 : i32
      %dma_wait3A_346 = tpu.memref_slice %arg6[%dma_wait3A_343, %dma_wait3A_344, %dma_wait3A_345] : memref<2x256x128xf32, #tpu.memory_space<vmem>> -> memref<1x128x128xf32, #tpu.memory_space<vmem>>
      %dma_wait3A_347 = tpu.memref_squeeze %dma_wait3A_346 : memref<1x128x128xf32, #tpu.memory_space<vmem>> -> memref<128x128xf32, #tpu.memory_space<vmem>>
      %dma_wait3A_348 = arith.constant 0 : i32
      %dma_wait3A_349 = tpu.memref_slice %arg5[%dma_wait3A_341, %dma_wait3A_342, %dma_wait3A_348] : memref<2x2x128xi32, #tpu.memory_space<vmem>> -> memref<1x1x128xi32, #tpu.memory_space<vmem>>
      %dma_wait3A_350 = tpu.memref_squeeze %dma_wait3A_349 : memref<1x1x128xi32, #tpu.memory_space<vmem>> -> memref<128xi32, #tpu.memory_space<vmem>>
      %dma_wait3A_351 = arith.constant 0 : i32
      %dma_wait3A_352 = arith.constant 0 : i32
      %dma_wait3A_353 = tpu.memref_slice %arg3[%dma_wait3A_351, %dma_wait3A_352] : memref<512000x128xf32, #tpu.memory_space<hbm>> -> memref<512000x128xf32, #tpu.memory_space<hbm>>
      tpu.wait_indirect_dma semaphore(%arg7 : memref<!tpu.dma_semaphore, #tpu.memory_space<semaphore_mem>>) src(%dma_wait3A_353 : memref<512000x128xf32, #tpu.memory_space<hbm>>) dst(%dma_wait3A_347 : memref<128x128xf32, #tpu.memory_space<vmem>>)
      %dma_wait3A_354 = arith.constant 1 : i32
      %dma_wait3A_355 = arith.constant 1 : i32
      %dma_wait3A_356 = arith.constant 1 : i32
      %dma_wait3A_357 = arith.constant 128 : i32
      %dma_wait3A_358 = arith.constant 0 : i32
      %dma_wait3A_359 = tpu.memref_slice %arg6[%dma_wait3A_356, %dma_wait3A_357, %dma_wait3A_358] : memref<2x256x128xf32, #tpu.memory_space<vmem>> -> memref<1x128x128xf32, #tpu.memory_space<vmem>>
      %dma_wait3A_360 = tpu.memref_squeeze %dma_wait3A_359 : memref<1x128x128xf32, #tpu.memory_space<vmem>> -> memref<128x128xf32, #tpu.memory_space<vmem>>
      %dma_wait3A_361 = arith.constant 0 : i32
      %dma_wait3A_362 = tpu.memref_slice %arg5[%dma_wait3A_354, %dma_wait3A_355, %dma_wait3A_361] : memref<2x2x128xi32, #tpu.memory_space<vmem>> -> memref<1x1x128xi32, #tpu.memory_space<vmem>>
      %dma_wait3A_363 = tpu.memref_squeeze %dma_wait3A_362 : memref<1x1x128xi32, #tpu.memory_space<vmem>> -> memref<128xi32, #tpu.memory_space<vmem>>
      %dma_wait3A_364 = arith.constant 0 : i32
      %dma_wait3A_365 = arith.constant 0 : i32
      %dma_wait3A_366 = tpu.memref_slice %arg3[%dma_wait3A_364, %dma_wait3A_365] : memref<512000x128xf32, #tpu.memory_space<hbm>> -> memref<512000x128xf32, #tpu.memory_space<hbm>>
      tpu.wait_indirect_dma semaphore(%arg7 : memref<!tpu.dma_semaphore, #tpu.memory_space<semaphore_mem>>) src(%dma_wait3A_366 : memref<512000x128xf32, #tpu.memory_space<hbm>>) dst(%dma_wait3A_360 : memref<128x128xf32, #tpu.memory_space<vmem>>)
      %dma_wait3A_367 = arith.constant 0 : i32
      %dma_wait3A_368 = arith.constant 0 : i32
      %dma_wait3A_369 = arith.constant 0 : i32
      %dma_wait3A_370 = tpu.memref_slice %arg6[%dma_wait3A_367, %dma_wait3A_368, %dma_wait3A_369] : memref<2x256x128xf32, #tpu.memory_space<vmem>> -> memref<1x256x128xf32, #tpu.memory_space<vmem>>
      %dma_wait3A_371 = tpu.memref_squeeze %dma_wait3A_370 : memref<1x256x128xf32, #tpu.memory_space<vmem>> -> memref<256x128xf32, #tpu.memory_space<vmem>>
      %dma_wait3A_372 = arith.constant 0 : i32
      %dma_wait3A_373 = arith.constant 0 : i32
      %dma_wait3A_374 = tpu.memref_slice %arg4[%dma_wait3A_372, %dma_wait3A_373] : memref<819200x128xf32, #tpu.memory_space<hbm>> -> memref<256x128xf32, #tpu.memory_space<hbm>>
      %dma_wait3A_375 = arith.constant 0 : i32
      %dma_wait3A_376 = arith.constant 0 : i32
      %dma_wait3A_377 = tpu.memref_slice %arg4[%dma_wait3A_375, %dma_wait3A_376] : memref<819200x128xf32, #tpu.memory_space<hbm>> -> memref<256x128xf32, #tpu.memory_space<hbm>>
      %dma_wait3A_378 = arith.constant 0 : i32
      %dma_wait3A_379 = arith.constant 0 : i32
      %dma_wait3A_380 = tpu.memref_slice %arg6[%dma_wait3A_367, %dma_wait3A_378, %dma_wait3A_379] : memref<2x256x128xf32, #tpu.memory_space<vmem>> -> memref<1x256x128xf32, #tpu.memory_space<vmem>>
      %dma_wait3A_381 = tpu.memref_squeeze %dma_wait3A_380 : memref<1x256x128xf32, #tpu.memory_space<vmem>> -> memref<256x128xf32, #tpu.memory_space<vmem>>
      tpu.wait_dma2 semaphore(%arg8 : memref<!tpu.dma_semaphore, #tpu.memory_space<semaphore_mem>>) src(%dma_wait3A_381 : memref<256x128xf32, #tpu.memory_space<vmem>>) dst(%dma_wait3A_377 : memref<256x128xf32, #tpu.memory_space<hbm>>)
      %add3A_382 = arith.constant 1 : i32
      %add3A_383 = arith.addi %add3A_340, %add3A_382 : i32
      %rem3A_384 = arith.constant 3200 : i32
      %rem3A_385 = arith.remsi %add3A_383, %rem3A_384 : i32
      %mul3A_386 = arith.constant 2 : i32
      %mul3A_387 = arith.muli %rem3A_385, %mul3A_386 : i32
      %run_scoped3A_388 = arith.constant 0 : i32
      "tpu.region"() ({
        %run_scoped3A_432 = tpu.sem_alloc : memref<!tpu.dma_semaphore, #tpu.memory_space<semaphore_mem>>
        %dma_start3A_433 = arith.constant 0 : i32
        %dma_start3A_434 = arith.constant 0 : i32
        %dma_start3A_435 = tpu.memref_slice %arg5[%run_scoped3A_388, %dma_start3A_433, %dma_start3A_434] : memref<2x2x128xi32, #tpu.memory_space<vmem>> -> memref<1x2x128xi32, #tpu.memory_space<vmem>>
        %dma_start3A_436 = tpu.memref_squeeze %dma_start3A_435 : memref<1x2x128xi32, #tpu.memory_space<vmem>> -> memref<2x128xi32, #tpu.memory_space<vmem>>
        %dma_start3A_437 = arith.constant 0 : i32
        %dma_start3A_438 = tpu.memref_slice %arg2[%mul3A_387, %dma_start3A_437] : memref<6400x128xi32, #tpu.memory_space<hbm>> -> memref<2x128xi32, #tpu.memory_space<hbm>>
        %dma_start3A_439 = arith.constant 0 : i32
        %dma_start3A_440 = arith.constant 0 : i32
        %dma_start3A_441 = tpu.memref_slice %arg5[%run_scoped3A_388, %dma_start3A_439, %dma_start3A_440] : memref<2x2x128xi32, #tpu.memory_space<vmem>> -> memref<1x2x128xi32, #tpu.memory_space<vmem>>
        %dma_start3A_442 = tpu.memref_squeeze %dma_start3A_441 : memref<1x2x128xi32, #tpu.memory_space<vmem>> -> memref<2x128xi32, #tpu.memory_space<vmem>>
        %dma_start3A_443 = arith.constant 0 : i32
        %dma_start3A_444 = tpu.memref_slice %arg2[%mul3A_387, %dma_start3A_443] : memref<6400x128xi32, #tpu.memory_space<hbm>> -> memref<2x128xi32, #tpu.memory_space<hbm>>
        tpu.enqueue_dma source(%dma_start3A_444 : memref<2x128xi32, #tpu.memory_space<hbm>>) target(%dma_start3A_442 : memref<2x128xi32, #tpu.memory_space<vmem>>) target_semaphore(%run_scoped3A_432 : memref<!tpu.dma_semaphore, #tpu.memory_space<semaphore_mem>>)
        %dma_wait3A_445 = arith.constant 0 : i32
        %dma_wait3A_446 = arith.constant 0 : i32
        %dma_wait3A_447 = tpu.memref_slice %arg5[%run_scoped3A_388, %dma_wait3A_445, %dma_wait3A_446] : memref<2x2x128xi32, #tpu.memory_space<vmem>> -> memref<1x2x128xi32, #tpu.memory_space<vmem>>
        %dma_wait3A_448 = tpu.memref_squeeze %dma_wait3A_447 : memref<1x2x128xi32, #tpu.memory_space<vmem>> -> memref<2x128xi32, #tpu.memory_space<vmem>>
        %dma_wait3A_449 = arith.constant 0 : i32
        %dma_wait3A_450 = tpu.memref_slice %arg2[%mul3A_387, %dma_wait3A_449] : memref<6400x128xi32, #tpu.memory_space<hbm>> -> memref<2x128xi32, #tpu.memory_space<hbm>>
        %dma_wait3A_451 = arith.constant 0 : i32
        %dma_wait3A_452 = arith.constant 0 : i32
        %dma_wait3A_453 = tpu.memref_slice %arg5[%run_scoped3A_388, %dma_wait3A_451, %dma_wait3A_452] : memref<2x2x128xi32, #tpu.memory_space<vmem>> -> memref<1x2x128xi32, #tpu.memory_space<vmem>>
        %dma_wait3A_454 = tpu.memref_squeeze %dma_wait3A_453 : memref<1x2x128xi32, #tpu.memory_space<vmem>> -> memref<2x128xi32, #tpu.memory_space<vmem>>
        %dma_wait3A_455 = arith.constant 0 : i32
        %dma_wait3A_456 = tpu.memref_slice %arg2[%mul3A_387, %dma_wait3A_455] : memref<6400x128xi32, #tpu.memory_space<hbm>> -> memref<2x128xi32, #tpu.memory_space<hbm>>
        tpu.wait_dma2 semaphore(%run_scoped3A_432 : memref<!tpu.dma_semaphore, #tpu.memory_space<semaphore_mem>>) src(%dma_wait3A_456 : memref<2x128xi32, #tpu.memory_space<hbm>>) dst(%dma_wait3A_454 : memref<2x128xi32, #tpu.memory_space<vmem>>)
        tpu.yield
      }) : () -> ()
      %dma_start3A_389 = arith.constant 0 : i32
      %dma_start3A_390 = arith.constant 0 : i32
      %dma_start3A_391 = arith.constant 0 : i32
      %dma_start3A_392 = arith.constant 0 : i32
      %dma_start3A_393 = arith.constant 0 : i32
      %dma_start3A_394 = tpu.memref_slice %arg6[%dma_start3A_391, %dma_start3A_392, %dma_start3A_393] : memref<2x256x128xf32, #tpu.memory_space<vmem>> -> memref<1x128x128xf32, #tpu.memory_space<vmem>>
      %dma_start3A_395 = tpu.memref_squeeze %dma_start3A_394 : memref<1x128x128xf32, #tpu.memory_space<vmem>> -> memref<128x128xf32, #tpu.memory_space<vmem>>
      %dma_start3A_396 = arith.constant 0 : i32
      %dma_start3A_397 = tpu.memref_slice %arg5[%dma_start3A_389, %dma_start3A_390, %dma_start3A_396] : memref<2x2x128xi32, #tpu.memory_space<vmem>> -> memref<1x1x128xi32, #tpu.memory_space<vmem>>
      %dma_start3A_398 = tpu.memref_squeeze %dma_start3A_397 : memref<1x1x128xi32, #tpu.memory_space<vmem>> -> memref<128xi32, #tpu.memory_space<vmem>>
      %dma_start3A_399 = arith.constant 0 : i32
      %dma_start3A_400 = arith.constant 0 : i32
      %dma_start3A_401 = tpu.memref_slice %arg3[%dma_start3A_399, %dma_start3A_400] : memref<512000x128xf32, #tpu.memory_space<hbm>> -> memref<512000x128xf32, #tpu.memory_space<hbm>>
      tpu.enqueue_indirect_dma source(%dma_start3A_401 : memref<512000x128xf32, #tpu.memory_space<hbm>>) target(%dma_start3A_395 : memref<128x128xf32, #tpu.memory_space<vmem>>) offsets(%dma_start3A_398 : memref<128xi32, #tpu.memory_space<vmem>>) semaphore(%arg7 : memref<!tpu.dma_semaphore, #tpu.memory_space<semaphore_mem>>)
      %dma_start3A_402 = arith.constant 0 : i32
      %dma_start3A_403 = arith.constant 1 : i32
      %dma_start3A_404 = arith.constant 0 : i32
      %dma_start3A_405 = arith.constant 128 : i32
      %dma_start3A_406 = arith.constant 0 : i32
      %dma_start3A_407 = tpu.memref_slice %arg6[%dma_start3A_404, %dma_start3A_405, %dma_start3A_406] : memref<2x256x128xf32, #tpu.memory_space<vmem>> -> memref<1x128x128xf32, #tpu.memory_space<vmem>>
      %dma_start3A_408 = tpu.memref_squeeze %dma_start3A_407 : memref<1x128x128xf32, #tpu.memory_space<vmem>> -> memref<128x128xf32, #tpu.memory_space<vmem>>
      %dma_start3A_409 = arith.constant 0 : i32
      %dma_start3A_410 = tpu.memref_slice %arg5[%dma_start3A_402, %dma_start3A_403, %dma_start3A_409] : memref<2x2x128xi32, #tpu.memory_space<vmem>> -> memref<1x1x128xi32, #tpu.memory_space<vmem>>
      %dma_start3A_411 = tpu.memref_squeeze %dma_start3A_410 : memref<1x1x128xi32, #tpu.memory_space<vmem>> -> memref<128xi32, #tpu.memory_space<vmem>>
      %dma_start3A_412 = arith.constant 0 : i32
      %dma_start3A_413 = arith.constant 0 : i32
      %dma_start3A_414 = tpu.memref_slice %arg3[%dma_start3A_412, %dma_start3A_413] : memref<512000x128xf32, #tpu.memory_space<hbm>> -> memref<512000x128xf32, #tpu.memory_space<hbm>>
      tpu.enqueue_indirect_dma source(%dma_start3A_414 : memref<512000x128xf32, #tpu.memory_space<hbm>>) target(%dma_start3A_408 : memref<128x128xf32, #tpu.memory_space<vmem>>) offsets(%dma_start3A_411 : memref<128xi32, #tpu.memory_space<vmem>>) semaphore(%arg7 : memref<!tpu.dma_semaphore, #tpu.memory_space<semaphore_mem>>)
      %mul3A_415 = arith.constant 2 : i32
      %mul3A_416 = arith.muli %add3A_340, %mul3A_415 : i32
      %mul3A_417 = arith.constant 128 : i32
      %mul3A_418 = arith.muli %mul3A_416, %mul3A_417 : i32
      %dma_start3A_419 = arith.constant 1 : i32
      %dma_start3A_420 = arith.constant 0 : i32
      %dma_start3A_421 = arith.constant 0 : i32
      %dma_start3A_422 = tpu.memref_slice %arg6[%dma_start3A_419, %dma_start3A_420, %dma_start3A_421] : memref<2x256x128xf32, #tpu.memory_space<vmem>> -> memref<1x256x128xf32, #tpu.memory_space<vmem>>
      %dma_start3A_423 = tpu.memref_squeeze %dma_start3A_422 : memref<1x256x128xf32, #tpu.memory_space<vmem>> -> memref<256x128xf32, #tpu.memory_space<vmem>>
      %dma_start3A_424 = arith.constant 0 : i32
      %dma_start3A_425 = tpu.memref_slice %arg4[%mul3A_418, %dma_start3A_424] : memref<819200x128xf32, #tpu.memory_space<hbm>> -> memref<256x128xf32, #tpu.memory_space<hbm>>
      %dma_start3A_426 = arith.constant 0 : i32
      %dma_start3A_427 = tpu.memref_slice %arg4[%mul3A_418, %dma_start3A_426] : memref<819200x128xf32, #tpu.memory_space<hbm>> -> memref<256x128xf32, #tpu.memory_space<hbm>>
      %dma_start3A_428 = arith.constant 0 : i32
      %dma_start3A_429 = arith.constant 0 : i32
      %dma_start3A_430 = tpu.memref_slice %arg6[%dma_start3A_419, %dma_start3A_428, %dma_start3A_429] : memref<2x256x128xf32, #tpu.memory_space<vmem>> -> memref<1x256x128xf32, #tpu.memory_space<vmem>>
      %dma_start3A_431 = tpu.memref_squeeze %dma_start3A_430 : memref<1x256x128xf32, #tpu.memory_space<vmem>> -> memref<256x128xf32, #tpu.memory_space<vmem>>
      tpu.enqueue_dma source(%dma_start3A_431 : memref<256x128xf32, #tpu.memory_space<vmem>>) target(%dma_start3A_427 : memref<256x128xf32, #tpu.memory_space<hbm>>) target_semaphore(%arg8 : memref<!tpu.dma_semaphore, #tpu.memory_space<semaphore_mem>>)
    }
    %scan3A_198 = arith.constant 49 : i32
    %dma_wait3A_199 = arith.constant 0 : i32
    %dma_wait3A_200 = arith.constant 0 : i32
    %dma_wait3A_201 = arith.constant 0 : i32
    %dma_wait3A_202 = arith.constant 0 : i32
    %dma_wait3A_203 = arith.constant 0 : i32
    %dma_wait3A_204 = tpu.memref_slice %arg6[%dma_wait3A_201, %dma_wait3A_202, %dma_wait3A_203] : memref<2x256x128xf32, #tpu.memory_space<vmem>> -> memref<1x128x128xf32, #tpu.memory_space<vmem>>
    %dma_wait3A_205 = tpu.memref_squeeze %dma_wait3A_204 : memref<1x128x128xf32, #tpu.memory_space<vmem>> -> memref<128x128xf32, #tpu.memory_space<vmem>>
    %dma_wait3A_206 = arith.constant 0 : i32
    %dma_wait3A_207 = tpu.memref_slice %arg5[%dma_wait3A_199, %dma_wait3A_200, %dma_wait3A_206] : memref<2x2x128xi32, #tpu.memory_space<vmem>> -> memref<1x1x128xi32, #tpu.memory_space<vmem>>
    %dma_wait3A_208 = tpu.memref_squeeze %dma_wait3A_207 : memref<1x1x128xi32, #tpu.memory_space<vmem>> -> memref<128xi32, #tpu.memory_space<vmem>>
    %dma_wait3A_209 = arith.constant 0 : i32
    %dma_wait3A_210 = arith.constant 0 : i32
    %dma_wait3A_211 = tpu.memref_slice %arg3[%dma_wait3A_209, %dma_wait3A_210] : memref<512000x128xf32, #tpu.memory_space<hbm>> -> memref<512000x128xf32, #tpu.memory_space<hbm>>
    tpu.wait_indirect_dma semaphore(%arg7 : memref<!tpu.dma_semaphore, #tpu.memory_space<semaphore_mem>>) src(%dma_wait3A_211 : memref<512000x128xf32, #tpu.memory_space<hbm>>) dst(%dma_wait3A_205 : memref<128x128xf32, #tpu.memory_space<vmem>>)
    %dma_wait3A_212 = arith.constant 0 : i32
    %dma_wait3A_213 = arith.constant 1 : i32
    %dma_wait3A_214 = arith.constant 0 : i32
    %dma_wait3A_215 = arith.constant 128 : i32
    %dma_wait3A_216 = arith.constant 0 : i32
    %dma_wait3A_217 = tpu.memref_slice %arg6[%dma_wait3A_214, %dma_wait3A_215, %dma_wait3A_216] : memref<2x256x128xf32, #tpu.memory_space<vmem>> -> memref<1x128x128xf32, #tpu.memory_space<vmem>>
    %dma_wait3A_218 = tpu.memref_squeeze %dma_wait3A_217 : memref<1x128x128xf32, #tpu.memory_space<vmem>> -> memref<128x128xf32, #tpu.memory_space<vmem>>
    %dma_wait3A_219 = arith.constant 0 : i32
    %dma_wait3A_220 = tpu.memref_slice %arg5[%dma_wait3A_212, %dma_wait3A_213, %dma_wait3A_219] : memref<2x2x128xi32, #tpu.memory_space<vmem>> -> memref<1x1x128xi32, #tpu.memory_space<vmem>>
    %dma_wait3A_221 = tpu.memref_squeeze %dma_wait3A_220 : memref<1x1x128xi32, #tpu.memory_space<vmem>> -> memref<128xi32, #tpu.memory_space<vmem>>
    %dma_wait3A_222 = arith.constant 0 : i32
    %dma_wait3A_223 = arith.constant 0 : i32
    %dma_wait3A_224 = tpu.memref_slice %arg3[%dma_wait3A_222, %dma_wait3A_223] : memref<512000x128xf32, #tpu.memory_space<hbm>> -> memref<512000x128xf32, #tpu.memory_space<hbm>>
    tpu.wait_indirect_dma semaphore(%arg7 : memref<!tpu.dma_semaphore, #tpu.memory_space<semaphore_mem>>) src(%dma_wait3A_224 : memref<512000x128xf32, #tpu.memory_space<hbm>>) dst(%dma_wait3A_218 : memref<128x128xf32, #tpu.memory_space<vmem>>)
    %dma_wait3A_225 = arith.constant 1 : i32
    %dma_wait3A_226 = arith.constant 0 : i32
    %dma_wait3A_227 = arith.constant 0 : i32
    %dma_wait3A_228 = tpu.memref_slice %arg6[%dma_wait3A_225, %dma_wait3A_226, %dma_wait3A_227] : memref<2x256x128xf32, #tpu.memory_space<vmem>> -> memref<1x256x128xf32, #tpu.memory_space<vmem>>
    %dma_wait3A_229 = tpu.memref_squeeze %dma_wait3A_228 : memref<1x256x128xf32, #tpu.memory_space<vmem>> -> memref<256x128xf32, #tpu.memory_space<vmem>>
    %dma_wait3A_230 = arith.constant 0 : i32
    %dma_wait3A_231 = arith.constant 0 : i32
    %dma_wait3A_232 = tpu.memref_slice %arg4[%dma_wait3A_230, %dma_wait3A_231] : memref<819200x128xf32, #tpu.memory_space<hbm>> -> memref<256x128xf32, #tpu.memory_space<hbm>>
    %dma_wait3A_233 = arith.constant 0 : i32
    %dma_wait3A_234 = arith.constant 0 : i32
    %dma_wait3A_235 = tpu.memref_slice %arg4[%dma_wait3A_233, %dma_wait3A_234] : memref<819200x128xf32, #tpu.memory_space<hbm>> -> memref<256x128xf32, #tpu.memory_space<hbm>>
    %dma_wait3A_236 = arith.constant 0 : i32
    %dma_wait3A_237 = arith.constant 0 : i32
    %dma_wait3A_238 = tpu.memref_slice %arg6[%dma_wait3A_225, %dma_wait3A_236, %dma_wait3A_237] : memref<2x256x128xf32, #tpu.memory_space<vmem>> -> memref<1x256x128xf32, #tpu.memory_space<vmem>>
    %dma_wait3A_239 = tpu.memref_squeeze %dma_wait3A_238 : memref<1x256x128xf32, #tpu.memory_space<vmem>> -> memref<256x128xf32, #tpu.memory_space<vmem>>
    tpu.wait_dma2 semaphore(%arg8 : memref<!tpu.dma_semaphore, #tpu.memory_space<semaphore_mem>>) src(%dma_wait3A_239 : memref<256x128xf32, #tpu.memory_space<vmem>>) dst(%dma_wait3A_235 : memref<256x128xf32, #tpu.memory_space<hbm>>)
    return
  }
}

module attributes {stable_mosaic.version = 14 : i64} {
  func.func @body(%arg0: i32, %arg1: memref<64x2048xf32, #tpu.memory_space<vmem>>, %arg2: memref<64x2048xf32, #tpu.memory_space<vmem>>, %arg3: memref<64x64xf32, #tpu.memory_space<vmem>>, %arg4: memref<2048x128xf32, #tpu.memory_space<vmem>>) attributes {dimension_semantics = [#tpu.dimension_semantics<parallel>], iteration_bounds = array<i64: 250>, scalar_prefetch = 0 : i64, scratch_operands = 0 : i64, tpu.core_type = #tpu.core_type<tc>, window_params = [{transform_indices = @transform_0, window_bounds = array<i64: 64, 2048>}, {transform_indices = @transform_1, window_bounds = array<i64: 64, 2048>}, {pipeline_mode = #tpu.pipeline_mode<synchronous>, transform_indices = @transform_2, window_bounds = array<i64: 64, 64>}, {transform_indices = @transform_3, window_bounds = array<i64: 2048, 128>}]} {
    %get3A = arith.constant 0 : index
    %get3A_0 = arith.constant 0 : index
    %get3A_1 = vector.load %arg1[%get3A, %get3A_0] : memref<64x2048xf32, #tpu.memory_space<vmem>>, vector<64x2048xf32>
    %get3A_2 = arith.constant 0 : index
    %get3A_3 = arith.constant 0 : index
    %get3A_4 = vector.load %arg3[%get3A_2, %get3A_3] : memref<64x64xf32, #tpu.memory_space<vmem>>, vector<64x64xf32>
    %dot_general3A = arith.constant dense<0.000000e+00> : vector<2048x64xf32>
    %dot_general3A_5 = tpu.matmul %get3A_1, %get3A_4, %dot_general3A {dimension_numbers = #tpu.dot_dimension_numbers<[0], [0], [1], [1], [0, 1, 1, 1], [], []>, transpose_lhs_hint = false} : vector<64x2048xf32>, vector<64x64xf32>, vector<2048x64xf32> -> vector<2048x64xf32>
    %swap3A = arith.constant 0 : index
    %swap3A_6 = arith.constant 0 : index
    %swap3A_7 = vector.load %arg4[%swap3A, %swap3A_6] : memref<2048x128xf32, #tpu.memory_space<vmem>>, vector<2048x64xf32>
    tpu.vector_store %arg4[%swap3A, %swap3A_6], %dot_general3A_5 {strides = array<i32>} : memref<2048x128xf32, #tpu.memory_space<vmem>>, vector<2048x64xf32>,
    %get3A_8 = arith.constant 0 : index
    %get3A_9 = arith.constant 0 : index
    %get3A_10 = vector.load %arg2[%get3A_8, %get3A_9] : memref<64x2048xf32, #tpu.memory_space<vmem>>, vector<64x2048xf32>
    %get3A_11 = arith.constant 0 : index
    %get3A_12 = arith.constant 0 : index
    %get3A_13 = vector.load %arg3[%get3A_11, %get3A_12] : memref<64x64xf32, #tpu.memory_space<vmem>>, vector<64x64xf32>
    %dot_general3A_14 = arith.constant dense<0.000000e+00> : vector<2048x64xf32>
    %dot_general3A_15 = tpu.matmul %get3A_10, %get3A_13, %dot_general3A_14 {dimension_numbers = #tpu.dot_dimension_numbers<[0], [0], [1], [1], [0, 1, 1, 1], [], []>, transpose_lhs_hint = false} : vector<64x2048xf32>, vector<64x64xf32>, vector<2048x64xf32> -> vector<2048x64xf32>
    %swap3A_16 = arith.constant 0 : index
    %swap3A_17 = arith.constant 64 : index
    %swap3A_18 = vector.load %arg4[%swap3A_16, %swap3A_17] : memref<2048x128xf32, #tpu.memory_space<vmem>>, vector<2048x64xf32>
    tpu.vector_store %arg4[%swap3A_16, %swap3A_17], %dot_general3A_15 {strides = array<i32>} : memref<2048x128xf32, #tpu.memory_space<vmem>>, vector<2048x64xf32>,
    return
  }
  func.func @transform_0(%arg0: i32) -> (i32, i32) {
    %c0_i32 = arith.constant 0 : i32
    %c0_i32_0 = arith.constant 0 : i32
    return %c0_i32, %arg0 : i32, i32
  }
  func.func @transform_1(%arg0: i32) -> (i32, i32) {
    %add3A = arith.constant 250 : i32
    %add3A_0 = arith.addi %add3A, %arg0 : i32
    %min3A = arith.constant 488 : i32
    %min3A_1 = arith.minsi %add3A_0, %min3A : i32
    %c0_i32 = arith.constant 0 : i32
    %c0_i32_2 = arith.constant 0 : i32
    return %c0_i32, %min3A_1 : i32, i32
  }
  func.func @transform_2(%arg0: i32) -> (i32, i32) {
    %c0_i32 = arith.constant 0 : i32
    %c0_i32_0 = arith.constant 0 : i32
    %c0_i32_1 = arith.constant 0 : i32
    return %c0_i32, %c0_i32_0 : i32, i32
  }
  func.func @transform_3(%arg0: i32) -> (i32, i32) {
    %c0_i32 = arith.constant 0 : i32
    %c0_i32_0 = arith.constant 0 : i32
    return %arg0, %c0_i32 : i32, i32
  }
}

module attributes {stable_mosaic.version = 14 : i64} {
  func.func @body(%arg0: i32, %arg1: i32, %arg2: memref<1x1x2048x128xf32, #tpu.memory_space<vmem>>, %arg3: memref<1x1x1x2048xi32, #tpu.memory_space<vmem>>, %arg4: memref<1x1x1x2048xi32, #tpu.memory_space<vmem>>, %arg5: memref<128x64xf32, #tpu.memory_space<vmem>>, %arg6: memref<128x64xf32, #tpu.memory_space<vmem>>, %arg7: memref<128x64xf32, #tpu.memory_space<vmem>>, %arg8: memref<1x64x2048xf32, #tpu.memory_space<vmem>>) attributes {dimension_semantics = [#tpu.dimension_semantics<parallel>, #tpu.dimension_semantics<parallel>], iteration_bounds = array<i64: 50, 8>, scalar_prefetch = 0 : i64, scratch_operands = 0 : i64, tpu.core_type = #tpu.core_type<tc>, window_params = [{transform_indices = @transform_0, window_bounds = array<i64: 1, 1, 2048, 128>}, {transform_indices = @transform_1, window_bounds = array<i64: 1, 1, 1, 2048>}, {transform_indices = @transform_2, window_bounds = array<i64: 1, 1, 1, 2048>}, {pipeline_mode = #tpu.pipeline_mode<synchronous>, transform_indices = @transform_3, window_bounds = array<i64: 128, 64>}, {pipeline_mode = #tpu.pipeline_mode<synchronous>, transform_indices = @transform_4, window_bounds = array<i64: 128, 64>}, {pipeline_mode = #tpu.pipeline_mode<synchronous>, transform_indices = @transform_5, window_bounds = array<i64: 128, 64>}, {transform_indices = @transform_6, window_bounds = array<i64: 1, 64, 2048>}]} {
    %get3A = arith.constant 0 : index
    %get3A_0 = arith.constant 0 : index
    %get3A_1 = arith.constant 0 : index
    %get3A_2 = arith.constant 0 : index
    %get3A_3 = vector.load %arg2[%get3A, %get3A_0, %get3A_1, %get3A_2] : memref<1x1x2048x128xf32, #tpu.memory_space<vmem>>, vector<1x1x2048x128xf32>
    %get3A_4 = vector.shape_cast %get3A_3 : vector<1x1x2048x128xf32> to vector<2048x128xf32>
    %get3A_5 = arith.constant 0 : index
    %get3A_6 = arith.constant 0 : index
    %get3A_7 = vector.load %arg5[%get3A_5, %get3A_6] : memref<128x64xf32, #tpu.memory_space<vmem>>, vector<128x64xf32>
    %dot_general3A = arith.constant dense<0.000000e+00> : vector<64x2048xf32>
    %dot_general3A_8 = tpu.matmul %get3A_7, %get3A_4, %dot_general3A {dimension_numbers = #tpu.dot_dimension_numbers<[0], [1], [1], [0], [0, 1, 1, 0], [], []>, transpose_lhs_hint = false} : vector<128x64xf32>, vector<2048x128xf32>, vector<64x2048xf32> -> vector<64x2048xf32>
    %get3A_9 = arith.constant 0 : index
    %get3A_10 = arith.constant 0 : index
    %get3A_11 = vector.load %arg6[%get3A_9, %get3A_10] : memref<128x64xf32, #tpu.memory_space<vmem>>, vector<128x64xf32>
    %dot_general3A_12 = arith.constant dense<0.000000e+00> : vector<64x2048xf32>
    %dot_general3A_13 = tpu.matmul %get3A_11, %get3A_4, %dot_general3A_12 {dimension_numbers = #tpu.dot_dimension_numbers<[0], [1], [1], [0], [0, 1, 1, 0], [], []>, transpose_lhs_hint = false} : vector<128x64xf32>, vector<2048x128xf32>, vector<64x2048xf32> -> vector<64x2048xf32>
    %get3A_14 = arith.constant 0 : index
    %get3A_15 = arith.constant 0 : index
    %get3A_16 = arith.constant 0 : index
    %get3A_17 = arith.constant 0 : index
    %get3A_18 = vector.load %arg3[%get3A_14, %get3A_15, %get3A_16, %get3A_17] : memref<1x1x1x2048xi32, #tpu.memory_space<vmem>>, vector<1x1x1x2048xi32>
    %get3A_19 = vector.shape_cast %get3A_18 : vector<1x1x1x2048xi32> to vector<1x2048xi32>
    %broadcast_in_dim3A = vector.shape_cast %get3A_19 : vector<1x2048xi32> to vector<1x2048xi32>
    %broadcast_in_dim3A_20 = vector.broadcast %broadcast_in_dim3A : vector<1x2048xi32> to vector<64x2048xi32>
    %convert_element_type3A = arith.sitofp %broadcast_in_dim3A_20 : vector<64x2048xi32> to vector<64x2048xf32>
    %iota3A = tpu.iota {dimensions = array<i32: 0>} : vector<128x2048xi32>
    %get3A_21 = arith.constant 0 : index
    %get3A_22 = arith.constant 0 : index
    %get3A_23 = arith.constant 0 : index
    %get3A_24 = arith.constant 0 : index
    %get3A_25 = vector.load %arg4[%get3A_21, %get3A_22, %get3A_23, %get3A_24] : memref<1x1x1x2048xi32, #tpu.memory_space<vmem>>, vector<1x1x1x2048xi32>
    %get3A_26 = vector.shape_cast %get3A_25 : vector<1x1x1x2048xi32> to vector<1x2048xi32>
    %broadcast_in_dim3A_27 = vector.shape_cast %get3A_26 : vector<1x2048xi32> to vector<1x2048xi32>
    %broadcast_in_dim3A_28 = vector.broadcast %broadcast_in_dim3A_27 : vector<1x2048xi32> to vector<128x2048xi32>
    %eq3A = arith.cmpi eq, %iota3A, %broadcast_in_dim3A_28 : vector<128x2048xi32>
    %convert_element_type3A_29 = arith.extui %eq3A : vector<128x2048xi1> to vector<128x2048xi32>
    %convert_element_type3A_30 = arith.sitofp %convert_element_type3A_29 : vector<128x2048xi32> to vector<128x2048xf32>
    %sub3A = arith.subf %dot_general3A_13, %dot_general3A_8 : vector<64x2048xf32>
    %mul3A = arith.mulf %sub3A, %convert_element_type3A : vector<64x2048xf32>
    %add3A = arith.addf %dot_general3A_8, %mul3A : vector<64x2048xf32>
    %get3A_31 = arith.constant 0 : index
    %get3A_32 = arith.constant 0 : index
    %get3A_33 = vector.load %arg7[%get3A_31, %get3A_32] : memref<128x64xf32, #tpu.memory_space<vmem>>, vector<128x64xf32>
    %dot_general3A_34 = arith.constant dense<0.000000e+00> : vector<64x2048xf32>
    %dot_general3A_35 = tpu.matmul %get3A_33, %convert_element_type3A_30, %dot_general3A_34 {dimension_numbers = #tpu.dot_dimension_numbers<[0], [0], [1], [1], [0, 1, 1, 1], [], []>, transpose_lhs_hint = false} : vector<128x64xf32>, vector<128x2048xf32>, vector<64x2048xf32> -> vector<64x2048xf32>
    %add3A_36 = arith.addf %add3A, %dot_general3A_35 : vector<64x2048xf32>
    %swap3A = arith.constant 0 : index
    %swap3A_37 = arith.constant 0 : index
    %swap3A_38 = arith.constant 0 : index
    %swap3A_39 = vector.load %arg8[%swap3A, %swap3A_37, %swap3A_38] : memref<1x64x2048xf32, #tpu.memory_space<vmem>>, vector<1x64x2048xf32>
    %swap3A_40 = vector.shape_cast %swap3A_39 : vector<1x64x2048xf32> to vector<64x2048xf32>
    %swap3A_41 = vector.shape_cast %add3A_36 : vector<64x2048xf32> to vector<1x64x2048xf32>
    tpu.vector_store %arg8[%swap3A, %swap3A_37, %swap3A_38], %swap3A_41 {strides = array<i32>} : memref<1x64x2048xf32, #tpu.memory_space<vmem>>, vector<1x64x2048xf32>,
    return
  }
  func.func @transform_0(%arg0: i32, %arg1: i32) -> (i32, i32, i32, i32) {
    %c0_i32 = arith.constant 0 : i32
    %c0_i32_0 = arith.constant 0 : i32
    %c0_i32_1 = arith.constant 0 : i32
    return %arg0, %arg1, %c0_i32, %c0_i32_0 : i32, i32, i32, i32
  }
  func.func @transform_1(%arg0: i32, %arg1: i32) -> (i32, i32, i32, i32) {
    %c0_i32 = arith.constant 0 : i32
    %c0_i32_0 = arith.constant 0 : i32
    %c0_i32_1 = arith.constant 0 : i32
    return %arg0, %arg1, %c0_i32, %c0_i32_0 : i32, i32, i32, i32
  }
  func.func @transform_2(%arg0: i32, %arg1: i32) -> (i32, i32, i32, i32) {
    %c0_i32 = arith.constant 0 : i32
    %c0_i32_0 = arith.constant 0 : i32
    %c0_i32_1 = arith.constant 0 : i32
    return %arg0, %arg1, %c0_i32, %c0_i32_0 : i32, i32, i32, i32
  }
  func.func @transform_3(%arg0: i32, %arg1: i32) -> (i32, i32) {
    %c0_i32 = arith.constant 0 : i32
    %c0_i32_0 = arith.constant 0 : i32
    %c0_i32_1 = arith.constant 0 : i32
    return %c0_i32, %c0_i32_0 : i32, i32
  }
  func.func @transform_4(%arg0: i32, %arg1: i32) -> (i32, i32) {
    %c0_i32 = arith.constant 0 : i32
    %c0_i32_0 = arith.constant 0 : i32
    %c0_i32_1 = arith.constant 0 : i32
    return %c0_i32, %c0_i32_0 : i32, i32
  }
  func.func @transform_5(%arg0: i32, %arg1: i32) -> (i32, i32) {
    %c0_i32 = arith.constant 0 : i32
    %c0_i32_0 = arith.constant 0 : i32
    %c0_i32_1 = arith.constant 0 : i32
    return %c0_i32, %c0_i32_0 : i32, i32
  }
  func.func @transform_6(%arg0: i32, %arg1: i32) -> (i32, i32, i32) {
    %c0_i32 = arith.constant 0 : i32
    %c0_i32_0 = arith.constant 0 : i32
    return %arg0, %c0_i32, %arg1 : i32, i32, i32
  }
}

</mosaic_0001>

<sc_bundles>
// kernel: kernel.5.cloned.1.call-start
scs
__scs_entry_jumppad:
0x0: {  	(pc) =	sbr.rel $0x88, $3  }
0x1: {  	(tag) =	ssettag $0x0;
	lr =	simm.s32 $0x1  }
0x2: {  	[smem:$0x3F99] =	sst lr;
	_ =	strace $0xD0000000  }
0x3: {  	_ = 	snop  }
0x4: {  	_ = 	snop  }
0x5: {  	_ = 	snop  }
0x6: {  	_ = 	snop  }
0x7: {  	_ = 	snop  }
__scs_overlays_trampoline_lowered:
0x8: {  	[smem:$0x3FA8] =	sst s0  }
0x9: {  	[smem:$0x3FA9] =	sst s1  }
0xa: {  	[smem:$0x3FAA] =	sst s2  }
0xb: {  	[smem:$0x3FAB] =	sst s3  }
0xc: {  	[smem:$0x3FAC] =	sst s4  }
0xd: {  	[smem:$0x3FAD] =	sst s5  }
0xe: {  	[smem:$0x3FAE] =	sst s6  }
0xf: {  	[smem:$0x3FAF] =	sst s7  }
0x10: {  	[smem:$0x3FB0] =	sst s8  }
0x11: {  	[smem:$0x3FB1] =	sst s9;
	s0 =	simm.s32 @!p0 $0x0  }
0x12: {  	s1 =	sld [smem:$0x3F97];
	s0 =	simm.s32 @p0 $0x1  }
0x13: {  	[smem:$0x3FB2] =	sst s0;
	s0 =	simm.s32 @!p1 $0x0  }
0x14: {  	s2 =	sld [smem:$0x3F96];
	s0 =	simm.s32 @p1 $0x1  }
0x15: {  	[smem:$0x3FB3] =	sst s0;
	s0 =	simm.s32 @!p2 $0x0  }
0x16: {  	s3 =	sld [smem:$0x3FDB];
	s0 =	simm.s32 @p2 $0x1  }
0x17: {  	s4 =	simm.s32 $0x1BF5;
	[smem:$0x3FB5] =	sst s0  }
0x18: {  	s0 =	sld [smem:$0x3F98];
	_ =	swait.ge [sflag:s4], $0x0  }
0x19: {  	s7 =	sld [smem:$0x3F99]  }
0x1a: {  	s8 =	sadd.s32 $0xFFFFE003, lr  }
0x1b: {  	s9 =	sadd.s32 $0xFFFFFEF7, lr;
	s5 =	simm.s32 $0xFFFFFFFF;
	p2 =	slt.u32 s8, $0xFFFFF086  }
0x1c: {  	p1 =	slt.u32 s9, $0xF7A;
	s5 =	simm.s32 @!p2 $0x0  }
0x1d: {  	s5 =	simm.s32 @p1 $0x1;
	p0 =	seq.s32 s7, s2  }
0x1e: {  	s7 =	smul.u32 @!p0 $0xF7A, s2;
	p2 =	seq.s32 @!p0 s5, $0x0  }
0x1f: {  	s9 =	smul.u32 $0xF7A, s1;
	s8 =	simm.s32 @!p0 $0x1BF5;
	p2 =	por !p2, p0  }
0x20: {  	[sflag:s8] =	ssyncset.s32 @!p0 $0xFFFFF086;
	s6 =	sadd.s32 @!p0 s3, s7;
	s7 =	simm.s32 @!p0 $0x108  }
0x21: {  	s3 =	sadd.s32 s3, s9;
	s6 =	sadd.s32 @!p0 $0x88, s6;
	s7 =	simm.s32 @p2 $0x1082  }
0x22: {  	[simem:s7], [sflag:s8] =	dma.local @!p0 [hbm:s6], $0xF7A  }
0x23: {  	s9 =	sor.u32 $0xD0000000, s2;
	s6 =	simm.s32 $0x108;
	_ =	swait.ge @!p0 [sflag:s8], $0x0  }
0x24: {  	s3 =	sadd.s32 $0x88, s3;
	s6 =	simm.s32 @!p1 $0x1082;
	[sflag:s4] =	ssyncset.s32 $0xFFFFF086  }
0x25: {  	[simem:s6], [sflag:s4] =	dma.local [hbm:s3], $0xF7A  }
0x26: {  	[smem:$0x3F99] =	sst s1;
	(tag) =	ssettag s2;
	_ =	strace s9  }
0x27: {  	s1 =	sld [smem:$0x3FA9]  }
0x28: {  	s2 =	sld [smem:$0x3FAA]  }
0x29: {  	s4 =	sld [smem:$0x3FAC]  }
0x2a: {  	p0 =	seq.s32 s5, $0x0;
	s5 =	sld [smem:$0x3FAD]  }
0x2b: {  	s6 =	sld [smem:$0x3FAE]  }
0x2c: {  	s7 =	sld [smem:$0x3FAF]  }
0x2d: {  	s3 =	simm.s32 $0x108;
	s8 =	sld [smem:$0x3FB0]  }
0x2e: {  	s3 =	simm.s32 @!p0 $0x1082;
	s9 =	sld [smem:$0x3FB1]  }
0x2f: {  	lr =	sadd.s32 s0, s3;
	s0 =	sld [smem:$0x3FA8]  }
0x30: {  	s3 =	sld [smem:$0x3FAB]  }
0x31: {  	[smem:$0x3FB4] =	sst s10  }
0x32: {  	s10 =	sld [smem:$0x3FB2];
	_ =	sdelay $0x3  }
0x33: {  	p0 =	seq.s32 s10, $0x1;
	s10 =	sld [smem:$0x3FB4];
	_ =	sdelay $0x3  }
0x34: {  	[smem:$0x3FB4] =	sst s10  }
0x35: {  	s10 =	sld [smem:$0x3FB3];
	_ =	sdelay $0x3  }
0x36: {  	p1 =	seq.s32 s10, $0x1;
	s10 =	sld [smem:$0x3FB4];
	_ =	sdelay $0x3  }
0x37: {  	[smem:$0x3FB4] =	sst s10  }
0x38: {  	s10 =	sld [smem:$0x3FB5]  }
0x39: {  	_ = 	snop;
	(pc) =	sbr.ind lr, $3  }
0x3a: {  	_ = 	snop  }
0x3b: {  	_ = 	snop  }
0x3c: {  	p2 =	seq.s32 s10, $0x1;
	s10 =	sld [smem:$0x3FB4]  }
0x3d: {  	_ =	shalt  }
0x3e: {  	_ =	shalt  }
0x3f: {  	_ =	shalt  }
0x40: {  	_ =	shalt  }
0x41: {  	_ =	shalt  }
0x42: {  	_ =	shalt  }
0x43: {  	_ =	shalt  }
0x44: {  	_ =	shalt  }
0x45: {  	_ =	shalt  }
0x46: {  	_ =	shalt  }
0x47: {  	_ =	shalt  }
0x48: {  	_ =	shalt  }
0x49: {  	_ =	shalt  }
0x4a: {  	_ =	shalt  }
0x4b: {  	_ =	shalt  }
0x4c: {  	_ =	shalt  }
0x4d: {  	_ =	shalt  }
0x4e: {  	_ =	shalt  }
0x4f: {  	_ =	shalt  }
0x50: {  	_ =	shalt  }
0x51: {  	_ =	shalt  }
0x52: {  	_ =	shalt  }
0x53: {  	_ =	shalt  }
0x54: {  	_ =	shalt  }
0x55: {  	_ =	shalt  }
0x56: {  	_ =	shalt  }
0x57: {  	_ =	shalt  }
0x58: {  	_ =	shalt  }
0x59: {  	_ =	shalt  }
0x5a: {  	_ =	shalt  }
0x5b: {  	_ =	shalt  }
0x5c: {  	_ =	shalt  }
0x5d: {  	_ =	shalt  }
0x5e: {  	_ =	shalt  }
0x5f: {  	_ =	shalt  }
0x60: {  	_ =	shalt  }
0x61: {  	_ =	shalt  }
0x62: {  	_ =	shalt  }
0x63: {  	_ =	shalt  }
0x64: {  	_ =	shalt  }
0x65: {  	_ =	shalt  }
0x66: {  	_ =	shalt  }
0x67: {  	_ =	shalt  }
0x68: {  	_ =	shalt  }
0x69: {  	_ =	shalt  }
0x6a: {  	_ =	shalt  }
0x6b: {  	_ =	shalt  }
0x6c: {  	_ =	shalt  }
0x6d: {  	_ =	shalt  }
0x6e: {  	_ =	shalt  }
0x6f: {  	_ =	shalt  }
0x70: {  	_ =	shalt  }
0x71: {  	_ =	shalt  }
0x72: {  	_ =	shalt  }
0x73: {  	_ =	shalt  }
0x74: {  	_ =	shalt  }
0x75: {  	_ =	shalt  }
0x76: {  	_ =	shalt  }
0x77: {  	_ =	shalt  }
0x78: {  	_ =	shalt  }
0x79: {  	_ =	shalt  }
0x7a: {  	_ =	shalt  }
0x7b: {  	_ =	shalt  }
0x7c: {  	_ =	shalt  }
0x7d: {  	_ =	shalt  }
0x7e: {  	_ =	shalt  }
0x7f: {  	_ =	shalt  }
0x80: {  	_ =	shalt  }
0x81: {  	_ =	shalt  }
0x82: {  	_ =	shalt  }
0x83: {  	_ =	shalt  }
0x84: {  	_ =	shalt  }
0x85: {  	_ =	shalt  }
0x86: {  	_ =	shalt  }
0x87: {  	_ =	shalt  }
.Lfunc_end0:
.L_simem_size_0:
called_computation_lowered:
.L_overlay_start_0:
0x88: {  	s2 =	sld [smem:$0x3FD9]  }
0x89: {  	s3 =	sld [smem:$0x3FFE];
	_ =	sdelay $0x1  }
0x8a: {  	s1 =	srdreg.scid  }
0x8b: {  	s0 =	sand.u32 $0x1, s1  }
0x8c: {  	s17 =	sshll.u32 s0, $0xA;
	s2 =	sadd.s32 s3, s2  }
0x8d: {  	s2 =	sadd.s32 s2, s17  }
0x8e: {  	[smem:$0x3FC0] =	sst s2  }
0x8f: {  	_ = 	snop  }
0x90: {  	s2 =	sld [smem:$0x3FD0];
	(tm) =	ssettm $0x1  }
0x91: {  	s18 =	sld [smem:$0x3FFB];
	_ =	sdelay $0x3  }
0x92: {  	_ =	strace s18  }
0x93: {  	s3 =	sld [smem:$0x3FFC];
	_ =	sdelay $0x3  }
0x94: {  	_ =	strace s3  }
0x95: {  	s3 =	sld [smem:$0x3FFD];
	_ =	sdelay $0x3  }
0x96: {  	_ =	strace s3  }
0x97: {  	_ =	strace $0x8FFFFFFF  }
0x98: {  	s19 =	sld [smem:$0x3FDB];
	_ =	sdelay $0x1  }
0x99: {  	s4 =	simm.s32 $_scs_section_size  }
0x9a: {  	s5 =	simm.s32 $_size__tile_overlayer_lowered;
	s6 =	simm.s32 $_tile_overlayer_lowered  }
0x9b: {  	s22 =	simm.s32 $0x1BFF;
	s21 =	sshll.u32 s6, $0x1;
	s3 =	sadd.s32 s4, s19  }
0x9c: {  	s7 =	simm.s32 $0x0;
	s20 =	sshll.u32 s5, $0x1;
	s5 =	sadd.s32 s21, s3  }
0x9d: {  	[timem:s7], [sflag:s22] =	dma.local [hbm:s5], s20  }
0x9e: {  	_ =	swait.ge [sflag:s22], s20  }
0x9f: {  	s4 =	ssub.s32 $0x0, s20;
	[sflag:s22] =	ssyncset.done $0x0  }
0xa0: {  	[sflag:s22] =	ssyncadd.s32 s4;
	_ =	sdelay $0x1  }
0xa1: {  	s23 =	simm.s32 $0x1B8B  }
0xa2: {  	_ =	swait.ge [sflag:s23], $0x1  }
0xa3: {  	[sflag:s23] =	ssyncset.done $0x0  }
0xa4: {  	s25 =	simm.s32 $0x1B8E;
	s24 =	sld [smem:$0x3FFE];
	[sflag:s23] =	ssyncadd.s32 $0xFFFFFFFF  }
0xa5: {  	s26 =	simm.s32 $execute0_lowered;
	[smem:$0x3FD2] =	sst s25  }
0xa6: {  	s5 =	sshll.u32 s26, $0x1;
	_ =	strace $0x80000046;
	[dreg:$0x1] =	wrdreg $0xFFFFFFFF  }
0xa7: {  	s28 =	simm.s32 $_size_execute0_lowered;
	s3 =	sadd.s32 s3, s5;
	[dreg:$0x0] =	wrdreg $0x0  }
0xa8: {  	s5 =	sshll.u32 s28, $0x1;
	[dreg:$0x2] =	wrdreg s3  }
0xa9: {  	[dreg:$0x3] =	wrdreg s5  }
0xaa: {  	[dreg:$0x4] =	wrdreg $0xC0  }
0xab: {  	_ =	task [dreg:s7], $0x5FFFF  }
0xac: {  	[dreg:$0x1] =	wrdreg $0xFFFFFFFF  }
0xad: {  	[dreg:$0x0] =	wrdreg $0x60  }
0xae: {  	[dreg:$0x2] =	wrdreg s2  }
0xaf: {  	[dreg:$0x3] =	wrdreg s24  }
0xb0: {  	[dreg:$0x4] =	wrdreg $0x9  }
0xb1: {  	_ =	task.clear_ibuf [dreg:s7], $0x5FFFF;
	_ =	strace $0x90000046  }
0xb2: {  	s29 =	simm.s32 $0x9;
	_ =	strace $0x80000048  }
0xb3: {  	_ =	swait.ge [sflag:s29], $0x1  }
0xb4: {  	[sflag:s29] =	ssyncadd.s32 $0xFFFFFFFF  }
0xb5: {  	_ =	strace $0x90000048  }
0xb6: {  	_ =	sfence  }
0xb7: {  	s30 =	sld [smem:$0x0];
	_ =	sdelay $0x2  }
0xb8: {  	s31 =	sshll.u32 s1, $0xD;
	s1 =	sshrl.u32 s1, $0x2  }
0xb9: {  	s3 =	sand.u32 $0x4000, s31;
	s1 =	sadd.s32 s1, s30  }
0xba: {  	s0 =	sor.u32 s3, s0;
	s1 =	sshll.u32 s1, $0x11  }
0xbb: {  	s0 =	sor.u32 s1, s0  }
0xbc: {  	s0 =	sadd.s32 $0x8F2B, s0  }
0xbd: {  	[sflag:s0] =	ssyncadd.remote.s32 $0x1  }
0xbe: {  	_ =	sfence.sel $0xFFFF  }
0xbf: {  	[dreg:$0x0] =	wrdreg $0xFFFFFFFF;
	(pc) =	sbr.abs _section_cstart, $3  }
0xc0: {  	[dreg:$0x1] =	wrdreg $0xFFFFFFFF  }
0xc1: {  	_ =	task.clear_ibuf [dreg:s7], $0x2FFFF;
	_ =	strace $0x9FFFFFFF  }
0xc2: {  	(tm) =	ssettm $0x7FFFFFFF  }
0xc3: {  	_ =	shalt  }
tec
execute0_lowered:
.L_overlay_start_1:
0x0: {  	(tag) =	ssettag $0x1  }
0x1: {  	s2 =	rddreg [dreg:$0x0]  }
0x2: {  	s5 =	rddreg [dreg:$0x1]  }
0x3: {  	s0 =	rddreg [dreg:$0x2];
	s1 =	stileid.u32  }
0x4: {  	s4 =	srdreg.scid;
	s15 =	smul.u32 $0xC8, s1  }
0x5: {  	s3 =	simm.s32 $0x0;
	s18 =	simm.s32 $0x4200;
	s26 =	smul.u32 $0x1900, s1  }
0x6: {  	s19 =	simm.s32 $0x1;
	s10 =	sand.u32 $0x1, s4;
	s17 =	smul.u32 $0xC8000, s1  }
0x7: {  	s20 =	simm.s32 $0x100;
	s21 =	simm.s32 $0x8200;
	s25 =	smul.u32 $0x64, s10  }
0x8: {  	s22 =	sshll.u32 s1, $0x1;
	[smem:$0x7FF] =	sst s3;
	s28 =	smul.u32 $0xC80, s10  }
0x9: {  	s4 =	sadd.s32 $0x1600, s5;
	s6 =	sor.u32 s10, s22;
	s30 =	smul.u32 $0x64000, s10  }
0xa: {  	s11 =	sadd.s32 $0x7D1600, s5;
	s8 =	ssub.s32 $0x2, s10;
	s7 =	smul.u32 $0x64, s6  }
0xb: {  	_ =	strace $0x80000047;
	s9 =	smul.u32 $0xC80, s6;
	s23 =	sshrl.u32 s8, $0x1  }
0xc: {  	s22 =	simm.s32 $0x180;
	s12 =	smul.u32 $0x64000, s6;
	s13 =	ssub.s32 s8, s23  }
0xd: {  	s31 =	sadd.s32 s17, s30;
	s17 =	simm.s32 $0x200;
	s23 =	simm.s32 $0xC200  }
0xe: {  	s14 =	sor.u32 $0x1, s7;
	s5 =	sadd.s32 s2, s9;
	s7 =	sadd.s32 s11, s12  }
0xf: {  	s9 =	sadd.s32 s25, s15;
	s10 =	smax.u32 s13, $0x1;
	s12 =	sadd.s32 s28, s26  }
0x10: {  	s15 =	simm.s32 $0x3;
	s25 =	simm.s32 $0x0;
	s24 =	sshll.u32 s14, $0x5  }
0x11: {  	s8 =	sadd.s32 $0x40, s5;
	s14 =	sshll.u32 s14, $0xC;
	s16 =	sshll.u32 s9, $0xC  }
0x12: {  	s12 =	sor.u32 $0x60, s12;
	s6 =	sadd.s32 s2, s24;
	s9 =	sadd.s32 s11, s14  }
0x13: {  	s29 =	sadd.s32 s16, s11;
	s14 =	sadd.s32 $0xFF384000, s31;
	s16 =	simm.s32 $0x80  }
0x14: {  	s24 =	simm.s32 $0x2;
	s11 =	sadd.s32 $0x2000, s29;
	s13 =	sadd.s32 $0x3000, s29  }
.LBB2_1:
0x15: {  	[tilespmem:s3], [sflag:$0x3] =	stream.linear.gather [hbm4b:s5+s3], $0x100, $0x38;
	[tilespmem:$0x10200] =	vst v63  }
0x16: {  	_ =	swait.ge [sflag:s15], $0x100  }
0x17: {  	[sflag:s15] =	ssyncset.done $0x0  }
0x18: {  	[sflag:s15] =	ssyncadd.s32 $0xFFFFFF00  }
0x19: {  	[tilespmem:s17], [sflag:$0x1] =	stream.indirect.gather [hbm4b:s4+s16], $0x80, s3, s16, $0xb8;
	[tilespmem:$0x10200] =	vst v63  }
0x1a: {  	_ = 	snop  }
0x1b: {  	[tilespmem:s18], [sflag:$0x1] =	stream.indirect.gather [hbm4b:s4+s16], $0x80, s16, s16, $0xb8;
	[tilespmem:$0x10200] =	vst v63  }
0x1c: {  	_ =	swait.ge [sflag:s19], $0x4000  }
0x1d: {  	[sflag:s19] =	ssyncset.done $0x0  }
0x1e: {  	[sflag:s19] =	ssyncadd.s32 $0xFFFFC000  }
0x1f: {  	_ =	swait.ge [sflag:s19], $0x4000  }
0x20: {  	[sflag:s19] =	ssyncset.done $0x0  }
0x21: {  	[sflag:s19] =	ssyncadd.s32 $0xFFFFC000  }
0x22: {  	[tilespmem:s20], [sflag:$0x3] =	stream.linear.gather [hbm4b:s6+s3], $0x100, $0x38;
	[tilespmem:$0x10200] =	vst v63  }
0x23: {  	_ =	swait.ge [sflag:s15], $0x100  }
0x24: {  	[sflag:s15] =	ssyncset.done $0x0  }
0x25: {  	[sflag:s15] =	ssyncadd.s32 $0xFFFFFF00  }
0x26: {  	[tilespmem:s21], [sflag:$0x1] =	stream.indirect.gather [hbm4b:s4+s16], $0x80, s20, s16, $0xb8;
	[tilespmem:$0x10200] =	vst v63  }
0x27: {  	_ = 	snop  }
0x28: {  	[tilespmem:s23], [sflag:$0x1] =	stream.indirect.gather [hbm4b:s4+s16], $0x80, s22, s16, $0xb8;
	[tilespmem:$0x10200] =	vst v63  }
0x29: {  	_ = 	snop  }
0x2a: {  	[hbm4b:s7+s3] =	stream.linear.scatter [tilespmem:s17], [sflag:$0x2], $0x8000, $0x38;
	[tilespmem:$0x10200] =	vst v63  }
0x2b: {  	_ =	swait.ge [sflag:s19], $0x4000  }
0x2c: {  	[sflag:s19] =	ssyncset.done $0x0  }
0x2d: {  	[sflag:s19] =	ssyncadd.s32 $0xFFFFC000  }
0x2e: {  	_ =	swait.ge [sflag:s19], $0x4000  }
0x2f: {  	[sflag:s19] =	ssyncset.done $0x0  }
0x30: {  	[sflag:s19] =	ssyncadd.s32 $0xFFFFC000  }
0x31: {  	_ =	swait.ge [sflag:s24], $0x8000  }
0x32: {  	[sflag:s24] =	ssyncset.done $0x0  }
0x33: {  	[sflag:s24] =	ssyncadd.s32 $0xFFFF8000  }
0x34: {  	[tilespmem:s3], [sflag:$0x3] =	stream.linear.gather [hbm4b:s8+s3], $0x100, $0x38;
	[tilespmem:$0x10200] =	vst v63  }
0x35: {  	_ =	swait.ge [sflag:s15], $0x100  }
0x36: {  	[sflag:s15] =	ssyncset.done $0x0  }
0x37: {  	[sflag:s15] =	ssyncadd.s32 $0xFFFFFF00  }
0x38: {  	[tilespmem:s17], [sflag:$0x1] =	stream.indirect.gather [hbm4b:s4+s16], $0x80, s3, s16, $0xb8;
	[tilespmem:$0x10200] =	vst v63  }
0x39: {  	_ = 	snop  }
0x3a: {  	[tilespmem:s18], [sflag:$0x1] =	stream.indirect.gather [hbm4b:s4+s16], $0x80, s16, s16, $0xb8;
	[tilespmem:$0x10200] =	vst v63  }
0x3b: {  	_ = 	snop  }
0x3c: {  	[hbm4b:s9+s3] =	stream.linear.scatter [tilespmem:s21], [sflag:$0x2], $0x8000, $0x38;
	[tilespmem:$0x10200] =	vst v63  }
0x3d: {  	_ =	swait.ge [sflag:s19], $0x4000  }
0x3e: {  	[sflag:s19] =	ssyncset.done $0x0  }
0x3f: {  	[sflag:s19] =	ssyncadd.s32 $0xFFFFC000  }
0x40: {  	_ =	swait.ge [sflag:s19], $0x4000  }
0x41: {  	[sflag:s19] =	ssyncset.done $0x0  }
0x42: {  	[sflag:s19] =	ssyncadd.s32 $0xFFFFC000  }
0x43: {  	_ =	swait.ge [sflag:s24], $0x8000  }
0x44: {  	[sflag:s24] =	ssyncset.done $0x0  }
0x45: {  	s26 =	sadd.s32 s12, s2;
	[sflag:s24] =	ssyncadd.s32 $0xFFFF8000  }
0x46: {  	[tilespmem:s20], [sflag:$0x3] =	stream.linear.gather [hbm4b:s26+s3], $0x100, $0x38;
	[tilespmem:$0x10200] =	vst v63  }
0x47: {  	_ =	swait.ge [sflag:s15], $0x100  }
0x48: {  	[sflag:s15] =	ssyncset.done $0x0  }
0x49: {  	[sflag:s15] =	ssyncadd.s32 $0xFFFFFF00  }
0x4a: {  	[tilespmem:s21], [sflag:$0x1] =	stream.indirect.gather [hbm4b:s4+s16], $0x80, s20, s16, $0xb8;
	[tilespmem:$0x10200] =	vst v63  }
0x4b: {  	_ = 	snop  }
0x4c: {  	[tilespmem:s23], [sflag:$0x1] =	stream.indirect.gather [hbm4b:s4+s16], $0x80, s22, s16, $0xb8;
	[tilespmem:$0x10200] =	vst v63  }
0x4d: {  	s30 =	sadd.s32 $0x0, s11  }
0x4e: {  	[hbm4b:s30+s3] =	stream.linear.scatter [tilespmem:s17], [sflag:$0x2], $0x8000, $0x38;
	[tilespmem:$0x10200] =	vst v63  }
0x4f: {  	_ =	swait.ge [sflag:s19], $0x4000  }
0x50: {  	[sflag:s19] =	ssyncset.done $0x0  }
0x51: {  	[sflag:s19] =	ssyncadd.s32 $0xFFFFC000  }
0x52: {  	_ =	swait.ge [sflag:s19], $0x4000  }
0x53: {  	[sflag:s19] =	ssyncset.done $0x0  }
0x54: {  	s31 =	sadd.s32 $0x0, s14;
	[sflag:s19] =	ssyncadd.s32 $0xFFFFC000  }
0x55: {  	p0 =	seq.s32 s31, $0x0;
	s26 =	sadd.s32 $0x20, s12;
	_ =	swait.ge [sflag:s24], $0x8000  }
0x56: {  	s26 =	simm.s32 @p0 $0x0;
	[sflag:s24] =	ssyncset.done $0x0  }
0x57: {  	s26 =	sadd.s32 s2, s26;
	[sflag:s24] =	ssyncadd.s32 $0xFFFF8000  }
0x58: {  	[tilespmem:s3], [sflag:$0x3] =	stream.linear.gather [hbm4b:s26+s3], $0x100, $0x38;
	[tilespmem:$0x10200] =	vst v63  }
0x59: {  	_ =	swait.ge [sflag:s15], $0x100  }
0x5a: {  	[sflag:s15] =	ssyncset.done $0x0  }
0x5b: {  	[sflag:s15] =	ssyncadd.s32 $0xFFFFFF00  }
0x5c: {  	[tilespmem:s17], [sflag:$0x1] =	stream.indirect.gather [hbm4b:s4+s16], $0x80, s3, s16, $0xb8;
	[tilespmem:$0x10200] =	vst v63  }
0x5d: {  	s29 =	sadd.s32 $0x0, s13;
	s28 =	sadd.s32 $0x40, s12;
	s26 =	simm.s32 $0x2000  }
0x5e: {  	[tilespmem:s18], [sflag:$0x1] =	stream.indirect.gather [hbm4b:s4+s16], $0x80, s16, s16, $0xb8;
	[tilespmem:$0x10200] =	vst v63  }
.LBB2_2:
0x5f: {  	[hbm4b:s29+s3] =	stream.linear.scatter [tilespmem:s21], [sflag:$0x2], $0x8000, $0x38;
	[tilespmem:$0x10200] =	vst v63  }
0x60: {  	s29 =	smov.u32 s26  }
0x61: {  	p0 =	sne.s32 s26, $0x60000;
	s26 =	sadd.s32 $0x2000, s26;
	_ =	swait.ge [sflag:s19], $0x4000  }
0x62: {  	[sflag:s19] =	ssyncset.done $0x0  }
0x63: {  	[sflag:s19] =	ssyncadd.s32 $0xFFFFC000  }
0x64: {  	_ =	swait.ge [sflag:s19], $0x4000  }
0x65: {  	[sflag:s19] =	ssyncset.done $0x0  }
0x66: {  	[sflag:s19] =	ssyncadd.s32 $0xFFFFC000  }
0x67: {  	_ =	swait.ge [sflag:s24], $0x8000  }
0x68: {  	[sflag:s24] =	ssyncset.done $0x0  }
0x69: {  	s30 =	sadd.s32 s28, s2;
	[sflag:s24] =	ssyncadd.s32 $0xFFFF8000  }
0x6a: {  	[tilespmem:s20], [sflag:$0x3] =	stream.linear.gather [hbm4b:s30+s3], $0x100, $0x38;
	[tilespmem:$0x10200] =	vst v63  }
0x6b: {  	_ =	swait.ge [sflag:s15], $0x100  }
0x6c: {  	[sflag:s15] =	ssyncset.done $0x0  }
0x6d: {  	[sflag:s15] =	ssyncadd.s32 $0xFFFFFF00  }
0x6e: {  	[tilespmem:s21], [sflag:$0x1] =	stream.indirect.gather [hbm4b:s4+s16], $0x80, s20, s16, $0xb8;
	[tilespmem:$0x10200] =	vst v63  }
0x6f: {  	_ = 	snop  }
0x70: {  	[tilespmem:s23], [sflag:$0x1] =	stream.indirect.gather [hbm4b:s4+s16], $0x80, s22, s16, $0xb8;
	[tilespmem:$0x10200] =	vst v63  }
0x71: {  	s30 =	sadd.s32 s29, s11  }
0x72: {  	[hbm4b:s30+s3] =	stream.linear.scatter [tilespmem:s17], [sflag:$0x2], $0x8000, $0x38;
	[tilespmem:$0x10200] =	vst v63  }
0x73: {  	_ =	swait.ge [sflag:s19], $0x4000  }
0x74: {  	[sflag:s19] =	ssyncset.done $0x0  }
0x75: {  	[sflag:s19] =	ssyncadd.s32 $0xFFFFC000  }
0x76: {  	_ =	swait.ge [sflag:s19], $0x4000  }
0x77: {  	[sflag:s19] =	ssyncset.done $0x0  }
0x78: {  	s30 =	sadd.s32 s29, s14;
	[sflag:s19] =	ssyncadd.s32 $0xFFFFC000  }
0x79: {  	p1 =	seq.s32 s30, $0x0;
	s30 =	sadd.s32 $0x20, s28;
	_ =	swait.ge [sflag:s24], $0x8000  }
0x7a: {  	s30 =	simm.s32 @p1 $0x0;
	[sflag:s24] =	ssyncset.done $0x0  }
0x7b: {  	s30 =	sadd.s32 s2, s30;
	[sflag:s24] =	ssyncadd.s32 $0xFFFF8000  }
0x7c: {  	[tilespmem:s3], [sflag:$0x3] =	stream.linear.gather [hbm4b:s30+s3], $0x100, $0x38;
	[tilespmem:$0x10200] =	vst v63  }
0x7d: {  	_ =	swait.ge [sflag:s15], $0x100  }
0x7e: {  	[sflag:s15] =	ssyncset.done $0x0  }
.Ltmp0:
0x7f: {  	[sflag:s15] =	ssyncadd.s32 $0xFFFFFF00;
	(pc) =	sbr.rel @p0 .LBB2_2-.Ltmp0, $4  }
0x80: {  	[tilespmem:s17], [sflag:$0x1] =	stream.indirect.gather [hbm4b:s4+s16], $0x80, s3, s16, $0xb8;
	[tilespmem:$0x10200] =	vst v63  }
0x81: {  	_ = 	snop  }
0x82: {  	[tilespmem:s18], [sflag:$0x1] =	stream.indirect.gather [hbm4b:s4+s16], $0x80, s16, s16, $0xb8;
	[tilespmem:$0x10200] =	vst v63  }
0x83: {  	s29 =	sadd.s32 s29, s13;
	s28 =	sadd.s32 $0x40, s28  }
0x84: {  	[hbm4b:s29+s3] =	stream.linear.scatter [tilespmem:s21], [sflag:$0x2], $0x8000, $0x38;
	[tilespmem:$0x10200] =	vst v63  }
0x85: {  	_ =	swait.ge [sflag:s19], $0x4000  }
0x86: {  	[sflag:s19] =	ssyncset.done $0x0  }
0x87: {  	s25 =	sadd.s32 $0x1, s25;
	[sflag:s19] =	ssyncadd.s32 $0xFFFFC000  }
0x88: {  	p0 =	sne.s32 s25, s10;
	_ =	swait.ge [sflag:s19], $0x4000  }
.Ltmp1:
0x89: {  	[sflag:s19] =	ssyncset.done $0x0;
	(pc) =	sbr.rel @p0 .LBB2_1-.Ltmp1, $4  }
0x8a: {  	[sflag:s19] =	ssyncadd.s32 $0xFFFFC000  }
0x8b: {  	_ =	swait.ge [sflag:s24], $0x8000  }
0x8c: {  	[sflag:s24] =	ssyncset.done $0x0  }
0x8d: {  	[sflag:s24] =	ssyncadd.s32 $0xFFFF8000  }
0x8e: {  	_ =	sfence.sel $0x180000  }
0x8f: {  	[bflag:$0x0] =	sbarrier.arrive $0xFFFF  }
0x90: {  	p0 =	sne.s32 s1, $0x0;
	_ =	strace $0x90000047  }
0x91: {  	s0 =	sadd.s32 @!p0 $0x100000, s0;
	[bflag:$0x2] =	sbarrier.arrive $0xFFFF  }
0x92: {  	[sflag:s0] =	ssyncadd.tile.s32 @!p0 $0x1;
	_ =	shalt  }
.Lfunc_end2:
_tile_overlayer_lowered:
.L_overlay_start_2:
0x93: {  	(tag) =	ssettag $0x2  }
0x94: {  	s0 =	rddreg [dreg:$0x0];
	s2 =	stileid.u32  }
0x95: {  	s1 =	rddreg [dreg:$0x1];
	p0 =	sne.s32 s2, $0x0  }
0x96: {  	s3 =	rddreg [dreg:$0x2];
	[bflag:$0x3] =	sbarrier.arrive $0xFFFF;
	s2 =	simm.s32 @!p0 $0x1C03  }
0x97: {  	[timem:s3], [sflag:s2] =	dma.local @!p0 [hbm:s0], s1  }
0x98: {  	s0 =	simm.s32 @!p0 $0x3  }
0x99: {  	_ =	swait.ge @!p0 [sflag:s0], s1  }
0x9a: {  	s1 =	ssub.s32 @!p0 $0x0, s1;
	[sflag:s0] =	ssyncset.done @!p0 $0x0  }
0x9b: {  	[sflag:s0] =	ssyncadd.s32 @!p0 s1  }
0x9c: {  	[bflag:$0x3] =	sbarrier.arrive $0xFFFF  }
0x9d: {  	_ =	shalt  }

</sc_bundles>
